<compile_context>
chip_gen: v7x
topology: tpu7x:2x2x1
jax: 0.10.2.dev20260603
libtpu: 0.0.44.dev20260713+nightly
codegen_flags: <defaults>
</compile_context>

<pallas_src>
import jax
import jax.numpy as jnp
from jax import lax
from jax.experimental import pallas as pl
from jax.experimental.pallas import tpu as pltpu
from jax.experimental.pallas import tpu_sc as plsc

BATCH = 1024
SEQ = 80
DIM = 256
LANES = 16
NC = 2
NS = 16
NW = NC * NS
ROWS_PER_W = BATCH // NW
NBUF = 4
GAHEAD = 2


def _body(x_hbm, tok_hbm, pos_hbm, out_hbm, idx_v, pos_v, bufs, gsems, ssems,
          psem):
    wid = lax.axis_index("s") * NC + lax.axis_index("c")
    base = pl.multiple_of(wid * ROWS_PER_W, ROWS_PER_W)

    pltpu.sync_copy(x_hbm.at[pl.ds(base, ROWS_PER_W)], idx_v)
    pos_copy = pltpu.async_copy(pos_hbm, pos_v, psem)

    def gather(g, b):
        return pltpu.async_copy(tok_hbm.at[idx_v.at[g]], bufs[b], gsems[b])

    def store(g, b):
        return pltpu.async_copy(bufs[b], out_hbm.at[base + g], ssems[b])

    def gather_wait(g, b):
        pltpu.make_async_copy(tok_hbm.at[idx_v.at[g]], bufs[b], gsems[b]).wait()

    def store_wait(g, b):
        pltpu.make_async_copy(bufs[b], out_hbm.at[base + g], ssems[b]).wait()

    def add_pos(b):
        def add_row(r, c):
            for cc in range(DIM // LANES):
                sl = pl.ds(cc * LANES, LANES)
                bufs[b][r, sl] = bufs[b][r, sl] + pos_v[r, sl]
            return c

        lax.fori_loop(0, SEQ, add_row, 0)

    for g in range(GAHEAD):
        gather(g, g)
    pos_copy.wait()

    def group(k, c):
        gb = k * NBUF
        for db in range(NBUF):
            g = gb + db
            bn = (db + GAHEAD) % NBUF
            nxt = g + GAHEAD

            @pl.when(jnp.logical_and(nxt >= NBUF, nxt < ROWS_PER_W))
            def _():
                store_wait(nxt - NBUF, bn)

            @pl.when(nxt < ROWS_PER_W)
            def _():
                gather(nxt, bn)

            gather_wait(g, db)
            add_pos(db)
            store(g, db)
        return c

    lax.fori_loop(0, ROWS_PER_W // NBUF, group, 0)

    for g in range(ROWS_PER_W - NBUF, ROWS_PER_W):
        store_wait(g, g % NBUF)


@jax.jit
def _embed(x, token_table, pos_table):
    mesh = plsc.VectorSubcoreMesh(core_axis_name="c", subcore_axis_name="s",
                                  num_cores=NC, num_subcores=NS)
    return pl.kernel(
        _body,
        out_type=jax.ShapeDtypeStruct((BATCH, SEQ, DIM), jnp.float32),
        mesh=mesh,
        scratch_types=[
            pltpu.VMEM((ROWS_PER_W, SEQ), jnp.int32),
            pltpu.VMEM((SEQ, DIM), jnp.float32),
            [pltpu.VMEM((SEQ, DIM), jnp.float32) for _ in range(NBUF)],
            [pltpu.SemaphoreType.DMA for _ in range(NBUF)],
            [pltpu.SemaphoreType.DMA for _ in range(NBUF)],
            pltpu.SemaphoreType.DMA,
        ],
    )(x, token_table, pos_table)


def kernel(x, token_table, pos_table):
    if x.dtype != jnp.int32:
        x = x.astype(jnp.int32)
    return _embed(x, token_table, pos_table)

# --- scband reference (transcript-rebuilt; emitter-appended) ---
"""Pipeline reference for scband-token-and-position-embedding-73160472920693 (READ-ONLY COPY).

The authoritative reference and input builder live on the scoring server;
editing this copy changes nothing except your own understanding.
"""

import jax, jax.numpy as jnp
import numpy as np

VOCAB_SIZE = 50257
MAXLEN = 80
EMBED_DIM = 256
BATCH = 1024

def setup_inputs(seed: int = 0) -> dict:
    key = jax.random.key(seed)
    k1, k2, k3 = jax.random.split(key, 3)
    x = jax.random.randint(k1, (BATCH, MAXLEN), 0, VOCAB_SIZE, dtype=jnp.int64 if jax.config.jax_enable_x64 else jnp.int32)
    token_table = jax.random.normal(k2, (VOCAB_SIZE, EMBED_DIM), dtype=jnp.float32) * 0.02
    pos_table = jax.random.normal(k3, (MAXLEN, EMBED_DIM), dtype=jnp.float32) * 0.02
    return {"x": x, "token_table": token_table, "pos_table": pos_table}

def reference(x, token_table, pos_table):
    # maxlen inferred from last dim of x, as in the Keras layer
    seqlen = x.shape[-1]
    positions = jnp.arange(0, seqlen)
    pos_e = jnp.take(pos_table, positions, axis=0)          # [seqlen, D]
    tok_e = jnp.take(token_table, x, axis=0)                # [B, seqlen, D]
    return tok_e + pos_e[None, :, :]

if __name__ == "__main__":
    import jax
    _d = setup_inputs()
    print(jax.jit(kernel)(*tuple(_d.values())))

</pallas_src>

<mosaic_0001>
#map = affine_map<(d0, d1) -> (0, 0)>
#map1 = affine_map<(d0, d1) -> (0, 0, 0)>
module attributes {stable_mosaic.version = 14 : i64} {
  func.func @_body(%arg0: i32, %arg1: i32, %arg2: memref<1024x80xi32, #tpu.memory_space<hbm>>, %arg3: memref<50257x256xf32, #tpu.memory_space<hbm>>, %arg4: memref<80x256xf32, #tpu.memory_space<hbm>>, %arg5: memref<1024x80x256xf32, #tpu.memory_space<hbm>>, %arg6: memref<32x80xi32, #tpu.memory_space<vmem>>, %arg7: memref<80x256xf32, #tpu.memory_space<vmem>>, %arg8: memref<80x256xf32, #tpu.memory_space<vmem>>, %arg9: memref<80x256xf32, #tpu.memory_space<vmem>>, %arg10: memref<80x256xf32, #tpu.memory_space<vmem>>, %arg11: memref<80x256xf32, #tpu.memory_space<vmem>>, %arg12: memref<!tpu.dma_semaphore, #tpu.memory_space<semaphore_mem>>, %arg13: memref<!tpu.dma_semaphore, #tpu.memory_space<semaphore_mem>>, %arg14: memref<!tpu.dma_semaphore, #tpu.memory_space<semaphore_mem>>, %arg15: memref<!tpu.dma_semaphore, #tpu.memory_space<semaphore_mem>>, %arg16: memref<!tpu.dma_semaphore, #tpu.memory_space<semaphore_mem>>, %arg17: memref<!tpu.dma_semaphore, #tpu.memory_space<semaphore_mem>>, %arg18: memref<!tpu.dma_semaphore, #tpu.memory_space<semaphore_mem>>, %arg19: memref<!tpu.dma_semaphore, #tpu.memory_space<semaphore_mem>>, %arg20: memref<!tpu.dma_semaphore, #tpu.memory_space<semaphore_mem>>) attributes {dimension_semantics = [#tpu.dimension_semantics<core_parallel>, #tpu.dimension_semantics<subcore_parallel>], iteration_bounds = array<i64: 2, 16>, scalar_prefetch = 0 : i64, scratch_operands = 15 : i64, tpu.core_type = #tpu.core_type<sc_vector_subcore>, window_params = [{transform_indices = #map}, {transform_indices = #map}, {transform_indices = #map}, {transform_indices = #map1}]} {
    %mul3A = arith.constant 2 : i32
    %mul3A_0 = arith.muli %arg1, %mul3A : i32
    %add3A = arith.addi %mul3A_0, %arg0 : i32
    %mul3A_1 = arith.constant 32 : i32
    %mul3A_2 = arith.muli %add3A, %mul3A_1 : i32
    %multiple_of3A = tpu.assume_multiple %mul3A_2, 32 : i32
    "tpu.region"() ({
      %run_scoped3A = tpu.sem_alloc : memref<!tpu.dma_semaphore, #tpu.memory_space<semaphore_mem>>
      %dma_start3A_60 = arith.constant 0 : i32
      %dma_start3A_61 = tpu.memref_slice %arg2[%multiple_of3A, %dma_start3A_60] : memref<1024x80xi32, #tpu.memory_space<hbm>> -> memref<32x80xi32, #tpu.memory_space<hbm>>
      %dma_start3A_62 = arith.constant 0 : i32
      %dma_start3A_63 = tpu.memref_slice %arg2[%multiple_of3A, %dma_start3A_62] : memref<1024x80xi32, #tpu.memory_space<hbm>> -> memref<32x80xi32, #tpu.memory_space<hbm>>
      tpu.enqueue_dma source(%dma_start3A_63 : memref<32x80xi32, #tpu.memory_space<hbm>>) target(%arg6 : memref<32x80xi32, #tpu.memory_space<vmem>>) target_semaphore(%run_scoped3A : memref<!tpu.dma_semaphore, #tpu.memory_space<semaphore_mem>>)
      %dma_wait3A_64 = arith.constant 0 : i32
      %dma_wait3A_65 = tpu.memref_slice %arg2[%multiple_of3A, %dma_wait3A_64] : memref<1024x80xi32, #tpu.memory_space<hbm>> -> memref<32x80xi32, #tpu.memory_space<hbm>>
      %dma_wait3A_66 = arith.constant 0 : i32
      %dma_wait3A_67 = tpu.memref_slice %arg2[%multiple_of3A, %dma_wait3A_66] : memref<1024x80xi32, #tpu.memory_space<hbm>> -> memref<32x80xi32, #tpu.memory_space<hbm>>
      tpu.wait_dma2 semaphore(%run_scoped3A : memref<!tpu.dma_semaphore, #tpu.memory_space<semaphore_mem>>) src(%dma_wait3A_67 : memref<32x80xi32, #tpu.memory_space<hbm>>) dst(%arg6 : memref<32x80xi32, #tpu.memory_space<vmem>>)
      tpu.yield
    }) : () -> ()
    tpu.enqueue_dma source(%arg4 : memref<80x256xf32, #tpu.memory_space<hbm>>) target(%arg7 : memref<80x256xf32, #tpu.memory_space<vmem>>) target_semaphore(%arg20 : memref<!tpu.dma_semaphore, #tpu.memory_space<semaphore_mem>>)
    %dma_start3A = arith.constant 0 : i32
    %dma_start3A_3 = arith.constant 0 : i32
    %dma_start3A_4 = tpu.memref_slice %arg6[%dma_start3A, %dma_start3A_3] : memref<32x80xi32, #tpu.memory_space<vmem>> -> memref<1x80xi32, #tpu.memory_space<vmem>>
    %dma_start3A_5 = tpu.memref_squeeze %dma_start3A_4 : memref<1x80xi32, #tpu.memory_space<vmem>> -> memref<80xi32, #tpu.memory_space<vmem>>
    %dma_start3A_6 = arith.constant 0 : i32
    %dma_start3A_7 = arith.constant 0 : i32
    %dma_start3A_8 = tpu.memref_slice %arg3[%dma_start3A_6, %dma_start3A_7] : memref<50257x256xf32, #tpu.memory_space<hbm>> -> memref<50257x256xf32, #tpu.memory_space<hbm>>
    tpu.enqueue_indirect_dma source(%dma_start3A_8 : memref<50257x256xf32, #tpu.memory_space<hbm>>) target(%arg8 : memref<80x256xf32, #tpu.memory_space<vmem>>) offsets(%dma_start3A_5 : memref<80xi32, #tpu.memory_space<vmem>>) semaphore(%arg12 : memref<!tpu.dma_semaphore, #tpu.memory_space<semaphore_mem>>)
    %dma_start3A_9 = arith.constant 1 : i32
    %dma_start3A_10 = arith.constant 0 : i32
    %dma_start3A_11 = tpu.memref_slice %arg6[%dma_start3A_9, %dma_start3A_10] : memref<32x80xi32, #tpu.memory_space<vmem>> -> memref<1x80xi32, #tpu.memory_space<vmem>>
    %dma_start3A_12 = tpu.memref_squeeze %dma_start3A_11 : memref<1x80xi32, #tpu.memory_space<vmem>> -> memref<80xi32, #tpu.memory_space<vmem>>
    %dma_start3A_13 = arith.constant 0 : i32
    %dma_start3A_14 = arith.constant 0 : i32
    %dma_start3A_15 = tpu.memref_slice %arg3[%dma_start3A_13, %dma_start3A_14] : memref<50257x256xf32, #tpu.memory_space<hbm>> -> memref<50257x256xf32, #tpu.memory_space<hbm>>
    tpu.enqueue_indirect_dma source(%dma_start3A_15 : memref<50257x256xf32, #tpu.memory_space<hbm>>) target(%arg9 : memref<80x256xf32, #tpu.memory_space<vmem>>) offsets(%dma_start3A_12 : memref<80xi32, #tpu.memory_space<vmem>>) semaphore(%arg13 : memref<!tpu.dma_semaphore, #tpu.memory_space<semaphore_mem>>)
    tpu.wait_dma2 semaphore(%arg20 : memref<!tpu.dma_semaphore, #tpu.memory_space<semaphore_mem>>) src(%arg4 : memref<80x256xf32, #tpu.memory_space<hbm>>) dst(%arg7 : memref<80x256xf32, #tpu.memory_space<vmem>>)
    %scan3A = arith.constant 0 : i32
    %scan3A_16 = arith.constant 0 : i32
    %scan3A_17 = arith.constant 8 : i32
    %scan3A_18 = arith.addi %scan3A_16, %scan3A_17 : i32
    %scan3A_19 = arith.constant 1 : i32
    scf.for %scan3A_60 = %scan3A_16 to %scan3A_18 step %scan3A_19  : i32 {
      %mul3A_61 = arith.constant 4 : i32
      %mul3A_62 = arith.muli %scan3A_60, %mul3A_61 : i32
      %add3A_63 = arith.constant 0 : i32
      %add3A_64 = arith.addi %mul3A_62, %add3A_63 : i32
      %add3A_65 = arith.constant 2 : i32
      %add3A_66 = arith.addi %add3A_64, %add3A_65 : i32
      %ge3A = arith.constant 4 : i32
      %ge3A_67 = arith.cmpi sge, %add3A_66, %ge3A : i32
      %lt3A = arith.constant 32 : i32
      %lt3A_68 = arith.cmpi slt, %add3A_66, %lt3A : i32
      %and3A = arith.andi %ge3A_67, %lt3A_68 : i1
      %convert_element_type3A = arith.extui %and3A : i1 to i32
      %cond3A = arith.constant 0 : i32
      %cond3A_69 = arith.cmpi ne, %convert_element_type3A, %cond3A : i32
      scf.if %cond3A_69 {
        %sub3A = arith.constant 4 : i32
        %sub3A_210 = arith.subi %add3A_66, %sub3A : i32
        %add3A_211 = arith.addi %multiple_of3A, %sub3A_210 : i32
        %dma_wait3A_212 = arith.constant 0 : i32
        %dma_wait3A_213 = arith.constant 0 : i32
        %dma_wait3A_214 = tpu.memref_slice %arg5[%add3A_211, %dma_wait3A_212, %dma_wait3A_213] : memref<1024x80x256xf32, #tpu.memory_space<hbm>> -> memref<1x80x256xf32, #tpu.memory_space<hbm>>
        %dma_wait3A_215 = tpu.memref_squeeze %dma_wait3A_214 : memref<1x80x256xf32, #tpu.memory_space<hbm>> -> memref<80x256xf32, #tpu.memory_space<hbm>>
        %dma_wait3A_216 = arith.constant 0 : i32
        %dma_wait3A_217 = arith.constant 0 : i32
        %dma_wait3A_218 = tpu.memref_slice %arg5[%add3A_211, %dma_wait3A_216, %dma_wait3A_217] : memref<1024x80x256xf32, #tpu.memory_space<hbm>> -> memref<1x80x256xf32, #tpu.memory_space<hbm>>
        %dma_wait3A_219 = tpu.memref_squeeze %dma_wait3A_218 : memref<1x80x256xf32, #tpu.memory_space<hbm>> -> memref<80x256xf32, #tpu.memory_space<hbm>>
        tpu.wait_dma2 semaphore(%arg18 : memref<!tpu.dma_semaphore, #tpu.memory_space<semaphore_mem>>) src(%arg10 : memref<80x256xf32, #tpu.memory_space<vmem>>) dst(%dma_wait3A_219 : memref<80x256xf32, #tpu.memory_space<hbm>>)
      } else {
      }
      %lt3A_70 = arith.constant 32 : i32
      %lt3A_71 = arith.cmpi slt, %add3A_66, %lt3A_70 : i32
      %convert_element_type3A_72 = arith.extui %lt3A_71 : i1 to i32
      %cond3A_73 = arith.constant 0 : i32
      %cond3A_74 = arith.cmpi ne, %convert_element_type3A_72, %cond3A_73 : i32
      scf.if %cond3A_74 {
        %dma_start3A_210 = arith.constant 0 : i32
        %dma_start3A_211 = tpu.memref_slice %arg6[%add3A_66, %dma_start3A_210] : memref<32x80xi32, #tpu.memory_space<vmem>> -> memref<1x80xi32, #tpu.memory_space<vmem>>
        %dma_start3A_212 = tpu.memref_squeeze %dma_start3A_211 : memref<1x80xi32, #tpu.memory_space<vmem>> -> memref<80xi32, #tpu.memory_space<vmem>>
        %dma_start3A_213 = arith.constant 0 : i32
        %dma_start3A_214 = arith.constant 0 : i32
        %dma_start3A_215 = tpu.memref_slice %arg3[%dma_start3A_213, %dma_start3A_214] : memref<50257x256xf32, #tpu.memory_space<hbm>> -> memref<50257x256xf32, #tpu.memory_space<hbm>>
        tpu.enqueue_indirect_dma source(%dma_start3A_215 : memref<50257x256xf32, #tpu.memory_space<hbm>>) target(%arg10 : memref<80x256xf32, #tpu.memory_space<vmem>>) offsets(%dma_start3A_212 : memref<80xi32, #tpu.memory_space<vmem>>) semaphore(%arg14 : memref<!tpu.dma_semaphore, #tpu.memory_space<semaphore_mem>>)
      } else {
      }
      %dma_wait3A_75 = arith.constant 0 : i32
      %dma_wait3A_76 = tpu.memref_slice %arg6[%add3A_64, %dma_wait3A_75] : memref<32x80xi32, #tpu.memory_space<vmem>> -> memref<1x80xi32, #tpu.memory_space<vmem>>
      %dma_wait3A_77 = tpu.memref_squeeze %dma_wait3A_76 : memref<1x80xi32, #tpu.memory_space<vmem>> -> memref<80xi32, #tpu.memory_space<vmem>>
      %dma_wait3A_78 = arith.constant 0 : i32
      %dma_wait3A_79 = arith.constant 0 : i32
      %dma_wait3A_80 = tpu.memref_slice %arg3[%dma_wait3A_78, %dma_wait3A_79] : memref<50257x256xf32, #tpu.memory_space<hbm>> -> memref<50257x256xf32, #tpu.memory_space<hbm>>
      tpu.wait_indirect_dma semaphore(%arg12 : memref<!tpu.dma_semaphore, #tpu.memory_space<semaphore_mem>>) src(%dma_wait3A_80 : memref<50257x256xf32, #tpu.memory_space<hbm>>) dst(%arg8 : memref<80x256xf32, #tpu.memory_space<vmem>>)
      %scan3A_81 = arith.constant 0 : i32
      %scan3A_82 = arith.constant 0 : i32
      %scan3A_83 = arith.constant 80 : i32
      %scan3A_84 = arith.addi %scan3A_82, %scan3A_83 : i32
      %scan3A_85 = arith.constant 1 : i32
      scf.for %scan3A_210 = %scan3A_82 to %scan3A_84 step %scan3A_85  : i32 {
        %get3A = arith.index_cast %scan3A_210 : i32 to index
        %get3A_211 = arith.constant 0 : index
        %get3A_212 = tpu.vector_load %arg8[%get3A, %get3A_211] {strides = array<i32>} : memref<80x256xf32, #tpu.memory_space<vmem>>, vector<1x16xf32>,
        %get3A_213 = vector.shape_cast %get3A_212 : vector<1x16xf32> to vector<16xf32>
        %get3A_214 = arith.index_cast %scan3A_210 : i32 to index
        %get3A_215 = arith.constant 0 : index
        %get3A_216 = tpu.vector_load %arg7[%get3A_214, %get3A_215] {strides = array<i32>} : memref<80x256xf32, #tpu.memory_space<vmem>>, vector<1x16xf32>,
        %get3A_217 = vector.shape_cast %get3A_216 : vector<1x16xf32> to vector<16xf32>
        %add3A_218 = arith.addf %get3A_213, %get3A_217 : vector<16xf32>
        %swap3A = arith.index_cast %scan3A_210 : i32 to index
        %swap3A_219 = arith.constant 0 : index
        %swap3A_220 = tpu.vector_load %arg8[%swap3A, %swap3A_219] {strides = array<i32>} : memref<80x256xf32, #tpu.memory_space<vmem>>, vector<1x16xf32>,
        %swap3A_221 = vector.shape_cast %swap3A_220 : vector<1x16xf32> to vector<16xf32>
        %swap3A_222 = vector.shape_cast %add3A_218 : vector<16xf32> to vector<1x16xf32>
        tpu.vector_store %arg8[%swap3A, %swap3A_219], %swap3A_222 {strides = array<i32>} : memref<80x256xf32, #tpu.memory_space<vmem>>, vector<1x16xf32>,
        %get3A_223 = arith.index_cast %scan3A_210 : i32 to index
        %get3A_224 = arith.constant 16 : index
        %get3A_225 = tpu.vector_load %arg8[%get3A_223, %get3A_224] {strides = array<i32>} : memref<80x256xf32, #tpu.memory_space<vmem>>, vector<1x16xf32>,
        %get3A_226 = vector.shape_cast %get3A_225 : vector<1x16xf32> to vector<16xf32>
        %get3A_227 = arith.index_cast %scan3A_210 : i32 to index
        %get3A_228 = arith.constant 16 : index
        %get3A_229 = tpu.vector_load %arg7[%get3A_227, %get3A_228] {strides = array<i32>} : memref<80x256xf32, #tpu.memory_space<vmem>>, vector<1x16xf32>,
        %get3A_230 = vector.shape_cast %get3A_229 : vector<1x16xf32> to vector<16xf32>
        %add3A_231 = arith.addf %get3A_226, %get3A_230 : vector<16xf32>
        %swap3A_232 = arith.index_cast %scan3A_210 : i32 to index
        %swap3A_233 = arith.constant 16 : index
        %swap3A_234 = tpu.vector_load %arg8[%swap3A_232, %swap3A_233] {strides = array<i32>} : memref<80x256xf32, #tpu.memory_space<vmem>>, vector<1x16xf32>,
        %swap3A_235 = vector.shape_cast %swap3A_234 : vector<1x16xf32> to vector<16xf32>
        %swap3A_236 = vector.shape_cast %add3A_231 : vector<16xf32> to vector<1x16xf32>
        tpu.vector_store %arg8[%swap3A_232, %swap3A_233], %swap3A_236 {strides = array<i32>} : memref<80x256xf32, #tpu.memory_space<vmem>>, vector<1x16xf32>,
        %get3A_237 = arith.index_cast %scan3A_210 : i32 to index
        %get3A_238 = arith.constant 32 : index
        %get3A_239 = tpu.vector_load %arg8[%get3A_237, %get3A_238] {strides = array<i32>} : memref<80x256xf32, #tpu.memory_space<vmem>>, vector<1x16xf32>,
        %get3A_240 = vector.shape_cast %get3A_239 : vector<1x16xf32> to vector<16xf32>
        %get3A_241 = arith.index_cast %scan3A_210 : i32 to index
        %get3A_242 = arith.constant 32 : index
        %get3A_243 = tpu.vector_load %arg7[%get3A_241, %get3A_242] {strides = array<i32>} : memref<80x256xf32, #tpu.memory_space<vmem>>, vector<1x16xf32>,
        %get3A_244 = vector.shape_cast %get3A_243 : vector<1x16xf32> to vector<16xf32>
        %add3A_245 = arith.addf %get3A_240, %get3A_244 : vector<16xf32>
        %swap3A_246 = arith.index_cast %scan3A_210 : i32 to index
        %swap3A_247 = arith.constant 32 : index
        %swap3A_248 = tpu.vector_load %arg8[%swap3A_246, %swap3A_247] {strides = array<i32>} : memref<80x256xf32, #tpu.memory_space<vmem>>, vector<1x16xf32>,
        %swap3A_249 = vector.shape_cast %swap3A_248 : vector<1x16xf32> to vector<16xf32>
        %swap3A_250 = vector.shape_cast %add3A_245 : vector<16xf32> to vector<1x16xf32>
        tpu.vector_store %arg8[%swap3A_246, %swap3A_247], %swap3A_250 {strides = array<i32>} : memref<80x256xf32, #tpu.memory_space<vmem>>, vector<1x16xf32>,
        %get3A_251 = arith.index_cast %scan3A_210 : i32 to index
        %get3A_252 = arith.constant 48 : index
        %get3A_253 = tpu.vector_load %arg8[%get3A_251, %get3A_252] {strides = array<i32>} : memref<80x256xf32, #tpu.memory_space<vmem>>, vector<1x16xf32>,
        %get3A_254 = vector.shape_cast %get3A_253 : vector<1x16xf32> to vector<16xf32>
        %get3A_255 = arith.index_cast %scan3A_210 : i32 to index
        %get3A_256 = arith.constant 48 : index
        %get3A_257 = tpu.vector_load %arg7[%get3A_255, %get3A_256] {strides = array<i32>} : memref<80x256xf32, #tpu.memory_space<vmem>>, vector<1x16xf32>,
        %get3A_258 = vector.shape_cast %get3A_257 : vector<1x16xf32> to vector<16xf32>
        %add3A_259 = arith.addf %get3A_254, %get3A_258 : vector<16xf32>
        %swap3A_260 = arith.index_cast %scan3A_210 : i32 to index
        %swap3A_261 = arith.constant 48 : index
        %swap3A_262 = tpu.vector_load %arg8[%swap3A_260, %swap3A_261] {strides = array<i32>} : memref<80x256xf32, #tpu.memory_space<vmem>>, vector<1x16xf32>,
        %swap3A_263 = vector.shape_cast %swap3A_262 : vector<1x16xf32> to vector<16xf32>
        %swap3A_264 = vector.shape_cast %add3A_259 : vector<16xf32> to vector<1x16xf32>
        tpu.vector_store %arg8[%swap3A_260, %swap3A_261], %swap3A_264 {strides = array<i32>} : memref<80x256xf32, #tpu.memory_space<vmem>>, vector<1x16xf32>,
        %get3A_265 = arith.index_cast %scan3A_210 : i32 to index
        %get3A_266 = arith.constant 64 : index
        %get3A_267 = tpu.vector_load %arg8[%get3A_265, %get3A_266] {strides = array<i32>} : memref<80x256xf32, #tpu.memory_space<vmem>>, vector<1x16xf32>,
        %get3A_268 = vector.shape_cast %get3A_267 : vector<1x16xf32> to vector<16xf32>
        %get3A_269 = arith.index_cast %scan3A_210 : i32 to index
        %get3A_270 = arith.constant 64 : index
        %get3A_271 = tpu.vector_load %arg7[%get3A_269, %get3A_270] {strides = array<i32>} : memref<80x256xf32, #tpu.memory_space<vmem>>, vector<1x16xf32>,
        %get3A_272 = vector.shape_cast %get3A_271 : vector<1x16xf32> to vector<16xf32>
        %add3A_273 = arith.addf %get3A_268, %get3A_272 : vector<16xf32>
        %swap3A_274 = arith.index_cast %scan3A_210 : i32 to index
        %swap3A_275 = arith.constant 64 : index
        %swap3A_276 = tpu.vector_load %arg8[%swap3A_274, %swap3A_275] {strides = array<i32>} : memref<80x256xf32, #tpu.memory_space<vmem>>, vector<1x16xf32>,
        %swap3A_277 = vector.shape_cast %swap3A_276 : vector<1x16xf32> to vector<16xf32>
        %swap3A_278 = vector.shape_cast %add3A_273 : vector<16xf32> to vector<1x16xf32>
        tpu.vector_store %arg8[%swap3A_274, %swap3A_275], %swap3A_278 {strides = array<i32>} : memref<80x256xf32, #tpu.memory_space<vmem>>, vector<1x16xf32>,
        %get3A_279 = arith.index_cast %scan3A_210 : i32 to index
        %get3A_280 = arith.constant 80 : index
        %get3A_281 = tpu.vector_load %arg8[%get3A_279, %get3A_280] {strides = array<i32>} : memref<80x256xf32, #tpu.memory_space<vmem>>, vector<1x16xf32>,
        %get3A_282 = vector.shape_cast %get3A_281 : vector<1x16xf32> to vector<16xf32>
        %get3A_283 = arith.index_cast %scan3A_210 : i32 to index
        %get3A_284 = arith.constant 80 : index
        %get3A_285 = tpu.vector_load %arg7[%get3A_283, %get3A_284] {strides = array<i32>} : memref<80x256xf32, #tpu.memory_space<vmem>>, vector<1x16xf32>,
        %get3A_286 = vector.shape_cast %get3A_285 : vector<1x16xf32> to vector<16xf32>
        %add3A_287 = arith.addf %get3A_282, %get3A_286 : vector<16xf32>
        %swap3A_288 = arith.index_cast %scan3A_210 : i32 to index
        %swap3A_289 = arith.constant 80 : index
        %swap3A_290 = tpu.vector_load %arg8[%swap3A_288, %swap3A_289] {strides = array<i32>} : memref<80x256xf32, #tpu.memory_space<vmem>>, vector<1x16xf32>,
        %swap3A_291 = vector.shape_cast %swap3A_290 : vector<1x16xf32> to vector<16xf32>
        %swap3A_292 = vector.shape_cast %add3A_287 : vector<16xf32> to vector<1x16xf32>
        tpu.vector_store %arg8[%swap3A_288, %swap3A_289], %swap3A_292 {strides = array<i32>} : memref<80x256xf32, #tpu.memory_space<vmem>>, vector<1x16xf32>,
        %get3A_293 = arith.index_cast %scan3A_210 : i32 to index
        %get3A_294 = arith.constant 96 : index
        %get3A_295 = tpu.vector_load %arg8[%get3A_293, %get3A_294] {strides = array<i32>} : memref<80x256xf32, #tpu.memory_space<vmem>>, vector<1x16xf32>,
        %get3A_296 = vector.shape_cast %get3A_295 : vector<1x16xf32> to vector<16xf32>
        %get3A_297 = arith.index_cast %scan3A_210 : i32 to index
        %get3A_298 = arith.constant 96 : index
        %get3A_299 = tpu.vector_load %arg7[%get3A_297, %get3A_298] {strides = array<i32>} : memref<80x256xf32, #tpu.memory_space<vmem>>, vector<1x16xf32>,
        %get3A_300 = vector.shape_cast %get3A_299 : vector<1x16xf32> to vector<16xf32>
        %add3A_301 = arith.addf %get3A_296, %get3A_300 : vector<16xf32>
        %swap3A_302 = arith.index_cast %scan3A_210 : i32 to index
        %swap3A_303 = arith.constant 96 : index
        %swap3A_304 = tpu.vector_load %arg8[%swap3A_302, %swap3A_303] {strides = array<i32>} : memref<80x256xf32, #tpu.memory_space<vmem>>, vector<1x16xf32>,
        %swap3A_305 = vector.shape_cast %swap3A_304 : vector<1x16xf32> to vector<16xf32>
        %swap3A_306 = vector.shape_cast %add3A_301 : vector<16xf32> to vector<1x16xf32>
        tpu.vector_store %arg8[%swap3A_302, %swap3A_303], %swap3A_306 {strides = array<i32>} : memref<80x256xf32, #tpu.memory_space<vmem>>, vector<1x16xf32>,
        %get3A_307 = arith.index_cast %scan3A_210 : i32 to index
        %get3A_308 = arith.constant 112 : index
        %get3A_309 = tpu.vector_load %arg8[%get3A_307, %get3A_308] {strides = array<i32>} : memref<80x256xf32, #tpu.memory_space<vmem>>, vector<1x16xf32>,
        %get3A_310 = vector.shape_cast %get3A_309 : vector<1x16xf32> to vector<16xf32>
        %get3A_311 = arith.index_cast %scan3A_210 : i32 to index
        %get3A_312 = arith.constant 112 : index
        %get3A_313 = tpu.vector_load %arg7[%get3A_311, %get3A_312] {strides = array<i32>} : memref<80x256xf32, #tpu.memory_space<vmem>>, vector<1x16xf32>,
        %get3A_314 = vector.shape_cast %get3A_313 : vector<1x16xf32> to vector<16xf32>
        %add3A_315 = arith.addf %get3A_310, %get3A_314 : vector<16xf32>
        %swap3A_316 = arith.index_cast %scan3A_210 : i32 to index
        %swap3A_317 = arith.constant 112 : index
        %swap3A_318 = tpu.vector_load %arg8[%swap3A_316, %swap3A_317] {strides = array<i32>} : memref<80x256xf32, #tpu.memory_space<vmem>>, vector<1x16xf32>,
        %swap3A_319 = vector.shape_cast %swap3A_318 : vector<1x16xf32> to vector<16xf32>
        %swap3A_320 = vector.shape_cast %add3A_315 : vector<16xf32> to vector<1x16xf32>
        tpu.vector_store %arg8[%swap3A_316, %swap3A_317], %swap3A_320 {strides = array<i32>} : memref<80x256xf32, #tpu.memory_space<vmem>>, vector<1x16xf32>,
        %get3A_321 = arith.index_cast %scan3A_210 : i32 to index
        %get3A_322 = arith.constant 128 : index
        %get3A_323 = tpu.vector_load %arg8[%get3A_321, %get3A_322] {strides = array<i32>} : memref<80x256xf32, #tpu.memory_space<vmem>>, vector<1x16xf32>,
        %get3A_324 = vector.shape_cast %get3A_323 : vector<1x16xf32> to vector<16xf32>
        %get3A_325 = arith.index_cast %scan3A_210 : i32 to index
        %get3A_326 = arith.constant 128 : index
        %get3A_327 = tpu.vector_load %arg7[%get3A_325, %get3A_326] {strides = array<i32>} : memref<80x256xf32, #tpu.memory_space<vmem>>, vector<1x16xf32>,
        %get3A_328 = vector.shape_cast %get3A_327 : vector<1x16xf32> to vector<16xf32>
        %add3A_329 = arith.addf %get3A_324, %get3A_328 : vector<16xf32>
        %swap3A_330 = arith.index_cast %scan3A_210 : i32 to index
        %swap3A_331 = arith.constant 128 : index
        %swap3A_332 = tpu.vector_load %arg8[%swap3A_330, %swap3A_331] {strides = array<i32>} : memref<80x256xf32, #tpu.memory_space<vmem>>, vector<1x16xf32>,
        %swap3A_333 = vector.shape_cast %swap3A_332 : vector<1x16xf32> to vector<16xf32>
        %swap3A_334 = vector.shape_cast %add3A_329 : vector<16xf32> to vector<1x16xf32>
        tpu.vector_store %arg8[%swap3A_330, %swap3A_331], %swap3A_334 {strides = array<i32>} : memref<80x256xf32, #tpu.memory_space<vmem>>, vector<1x16xf32>,
        %get3A_335 = arith.index_cast %scan3A_210 : i32 to index
        %get3A_336 = arith.constant 144 : index
        %get3A_337 = tpu.vector_load %arg8[%get3A_335, %get3A_336] {strides = array<i32>} : memref<80x256xf32, #tpu.memory_space<vmem>>, vector<1x16xf32>,
        %get3A_338 = vector.shape_cast %get3A_337 : vector<1x16xf32> to vector<16xf32>
        %get3A_339 = arith.index_cast %scan3A_210 : i32 to index
        %get3A_340 = arith.constant 144 : index
        %get3A_341 = tpu.vector_load %arg7[%get3A_339, %get3A_340] {strides = array<i32>} : memref<80x256xf32, #tpu.memory_space<vmem>>, vector<1x16xf32>,
        %get3A_342 = vector.shape_cast %get3A_341 : vector<1x16xf32> to vector<16xf32>
        %add3A_343 = arith.addf %get3A_338, %get3A_342 : vector<16xf32>
        %swap3A_344 = arith.index_cast %scan3A_210 : i32 to index
        %swap3A_345 = arith.constant 144 : index
        %swap3A_346 = tpu.vector_load %arg8[%swap3A_344, %swap3A_345] {strides = array<i32>} : memref<80x256xf32, #tpu.memory_space<vmem>>, vector<1x16xf32>,
        %swap3A_347 = vector.shape_cast %swap3A_346 : vector<1x16xf32> to vector<16xf32>
        %swap3A_348 = vector.shape_cast %add3A_343 : vector<16xf32> to vector<1x16xf32>
        tpu.vector_store %arg8[%swap3A_344, %swap3A_345], %swap3A_348 {strides = array<i32>} : memref<80x256xf32, #tpu.memory_space<vmem>>, vector<1x16xf32>,
        %get3A_349 = arith.index_cast %scan3A_210 : i32 to index
        %get3A_350 = arith.constant 160 : index
        %get3A_351 = tpu.vector_load %arg8[%get3A_349, %get3A_350] {strides = array<i32>} : memref<80x256xf32, #tpu.memory_space<vmem>>, vector<1x16xf32>,
        %get3A_352 = vector.shape_cast %get3A_351 : vector<1x16xf32> to vector<16xf32>
        %get3A_353 = arith.index_cast %scan3A_210 : i32 to index
        %get3A_354 = arith.constant 160 : index
        %get3A_355 = tpu.vector_load %arg7[%get3A_353, %get3A_354] {strides = array<i32>} : memref<80x256xf32, #tpu.memory_space<vmem>>, vector<1x16xf32>,
        %get3A_356 = vector.shape_cast %get3A_355 : vector<1x16xf32> to vector<16xf32>
        %add3A_357 = arith.addf %get3A_352, %get3A_356 : vector<16xf32>
        %swap3A_358 = arith.index_cast %scan3A_210 : i32 to index
        %swap3A_359 = arith.constant 160 : index
        %swap3A_360 = tpu.vector_load %arg8[%swap3A_358, %swap3A_359] {strides = array<i32>} : memref<80x256xf32, #tpu.memory_space<vmem>>, vector<1x16xf32>,
        %swap3A_361 = vector.shape_cast %swap3A_360 : vector<1x16xf32> to vector<16xf32>
        %swap3A_362 = vector.shape_cast %add3A_357 : vector<16xf32> to vector<1x16xf32>
        tpu.vector_store %arg8[%swap3A_358, %swap3A_359], %swap3A_362 {strides = array<i32>} : memref<80x256xf32, #tpu.memory_space<vmem>>, vector<1x16xf32>,
        %get3A_363 = arith.index_cast %scan3A_210 : i32 to index
        %get3A_364 = arith.constant 176 : index
        %get3A_365 = tpu.vector_load %arg8[%get3A_363, %get3A_364] {strides = array<i32>} : memref<80x256xf32, #tpu.memory_space<vmem>>, vector<1x16xf32>,
        %get3A_366 = vector.shape_cast %get3A_365 : vector<1x16xf32> to vector<16xf32>
        %get3A_367 = arith.index_cast %scan3A_210 : i32 to index
        %get3A_368 = arith.constant 176 : index
        %get3A_369 = tpu.vector_load %arg7[%get3A_367, %get3A_368] {strides = array<i32>} : memref<80x256xf32, #tpu.memory_space<vmem>>, vector<1x16xf32>,
        %get3A_370 = vector.shape_cast %get3A_369 : vector<1x16xf32> to vector<16xf32>
        %add3A_371 = arith.addf %get3A_366, %get3A_370 : vector<16xf32>
        %swap3A_372 = arith.index_cast %scan3A_210 : i32 to index
        %swap3A_373 = arith.constant 176 : index
        %swap3A_374 = tpu.vector_load %arg8[%swap3A_372, %swap3A_373] {strides = array<i32>} : memref<80x256xf32, #tpu.memory_space<vmem>>, vector<1x16xf32>,
        %swap3A_375 = vector.shape_cast %swap3A_374 : vector<1x16xf32> to vector<16xf32>
        %swap3A_376 = vector.shape_cast %add3A_371 : vector<16xf32> to vector<1x16xf32>
        tpu.vector_store %arg8[%swap3A_372, %swap3A_373], %swap3A_376 {strides = array<i32>} : memref<80x256xf32, #tpu.memory_space<vmem>>, vector<1x16xf32>,
        %get3A_377 = arith.index_cast %scan3A_210 : i32 to index
        %get3A_378 = arith.constant 192 : index
        %get3A_379 = tpu.vector_load %arg8[%get3A_377, %get3A_378] {strides = array<i32>} : memref<80x256xf32, #tpu.memory_space<vmem>>, vector<1x16xf32>,
        %get3A_380 = vector.shape_cast %get3A_379 : vector<1x16xf32> to vector<16xf32>
        %get3A_381 = arith.index_cast %scan3A_210 : i32 to index
        %get3A_382 = arith.constant 192 : index
        %get3A_383 = tpu.vector_load %arg7[%get3A_381, %get3A_382] {strides = array<i32>} : memref<80x256xf32, #tpu.memory_space<vmem>>, vector<1x16xf32>,
        %get3A_384 = vector.shape_cast %get3A_383 : vector<1x16xf32> to vector<16xf32>
        %add3A_385 = arith.addf %get3A_380, %get3A_384 : vector<16xf32>
        %swap3A_386 = arith.index_cast %scan3A_210 : i32 to index
        %swap3A_387 = arith.constant 192 : index
        %swap3A_388 = tpu.vector_load %arg8[%swap3A_386, %swap3A_387] {strides = array<i32>} : memref<80x256xf32, #tpu.memory_space<vmem>>, vector<1x16xf32>,
        %swap3A_389 = vector.shape_cast %swap3A_388 : vector<1x16xf32> to vector<16xf32>
        %swap3A_390 = vector.shape_cast %add3A_385 : vector<16xf32> to vector<1x16xf32>
        tpu.vector_store %arg8[%swap3A_386, %swap3A_387], %swap3A_390 {strides = array<i32>} : memref<80x256xf32, #tpu.memory_space<vmem>>, vector<1x16xf32>,
        %get3A_391 = arith.index_cast %scan3A_210 : i32 to index
        %get3A_392 = arith.constant 208 : index
        %get3A_393 = tpu.vector_load %arg8[%get3A_391, %get3A_392] {strides = array<i32>} : memref<80x256xf32, #tpu.memory_space<vmem>>, vector<1x16xf32>,
        %get3A_394 = vector.shape_cast %get3A_393 : vector<1x16xf32> to vector<16xf32>
        %get3A_395 = arith.index_cast %scan3A_210 : i32 to index
        %get3A_396 = arith.constant 208 : index
        %get3A_397 = tpu.vector_load %arg7[%get3A_395, %get3A_396] {strides = array<i32>} : memref<80x256xf32, #tpu.memory_space<vmem>>, vector<1x16xf32>,
        %get3A_398 = vector.shape_cast %get3A_397 : vector<1x16xf32> to vector<16xf32>
        %add3A_399 = arith.addf %get3A_394, %get3A_398 : vector<16xf32>
        %swap3A_400 = arith.index_cast %scan3A_210 : i32 to index
        %swap3A_401 = arith.constant 208 : index
        %swap3A_402 = tpu.vector_load %arg8[%swap3A_400, %swap3A_401] {strides = array<i32>} : memref<80x256xf32, #tpu.memory_space<vmem>>, vector<1x16xf32>,
        %swap3A_403 = vector.shape_cast %swap3A_402 : vector<1x16xf32> to vector<16xf32>
        %swap3A_404 = vector.shape_cast %add3A_399 : vector<16xf32> to vector<1x16xf32>
        tpu.vector_store %arg8[%swap3A_400, %swap3A_401], %swap3A_404 {strides = array<i32>} : memref<80x256xf32, #tpu.memory_space<vmem>>, vector<1x16xf32>,
        %get3A_405 = arith.index_cast %scan3A_210 : i32 to index
        %get3A_406 = arith.constant 224 : index
        %get3A_407 = tpu.vector_load %arg8[%get3A_405, %get3A_406] {strides = array<i32>} : memref<80x256xf32, #tpu.memory_space<vmem>>, vector<1x16xf32>,
        %get3A_408 = vector.shape_cast %get3A_407 : vector<1x16xf32> to vector<16xf32>
        %get3A_409 = arith.index_cast %scan3A_210 : i32 to index
        %get3A_410 = arith.constant 224 : index
        %get3A_411 = tpu.vector_load %arg7[%get3A_409, %get3A_410] {strides = array<i32>} : memref<80x256xf32, #tpu.memory_space<vmem>>, vector<1x16xf32>,
        %get3A_412 = vector.shape_cast %get3A_411 : vector<1x16xf32> to vector<16xf32>
        %add3A_413 = arith.addf %get3A_408, %get3A_412 : vector<16xf32>
        %swap3A_414 = arith.index_cast %scan3A_210 : i32 to index
        %swap3A_415 = arith.constant 224 : index
        %swap3A_416 = tpu.vector_load %arg8[%swap3A_414, %swap3A_415] {strides = array<i32>} : memref<80x256xf32, #tpu.memory_space<vmem>>, vector<1x16xf32>,
        %swap3A_417 = vector.shape_cast %swap3A_416 : vector<1x16xf32> to vector<16xf32>
        %swap3A_418 = vector.shape_cast %add3A_413 : vector<16xf32> to vector<1x16xf32>
        tpu.vector_store %arg8[%swap3A_414, %swap3A_415], %swap3A_418 {strides = array<i32>} : memref<80x256xf32, #tpu.memory_space<vmem>>, vector<1x16xf32>,
        %get3A_419 = arith.index_cast %scan3A_210 : i32 to index
        %get3A_420 = arith.constant 240 : index
        %get3A_421 = tpu.vector_load %arg8[%get3A_419, %get3A_420] {strides = array<i32>} : memref<80x256xf32, #tpu.memory_space<vmem>>, vector<1x16xf32>,
        %get3A_422 = vector.shape_cast %get3A_421 : vector<1x16xf32> to vector<16xf32>
        %get3A_423 = arith.index_cast %scan3A_210 : i32 to index
        %get3A_424 = arith.constant 240 : index
        %get3A_425 = tpu.vector_load %arg7[%get3A_423, %get3A_424] {strides = array<i32>} : memref<80x256xf32, #tpu.memory_space<vmem>>, vector<1x16xf32>,
        %get3A_426 = vector.shape_cast %get3A_425 : vector<1x16xf32> to vector<16xf32>
        %add3A_427 = arith.addf %get3A_422, %get3A_426 : vector<16xf32>
        %swap3A_428 = arith.index_cast %scan3A_210 : i32 to index
        %swap3A_429 = arith.constant 240 : index
        %swap3A_430 = tpu.vector_load %arg8[%swap3A_428, %swap3A_429] {strides = array<i32>} : memref<80x256xf32, #tpu.memory_space<vmem>>, vector<1x16xf32>,
        %swap3A_431 = vector.shape_cast %swap3A_430 : vector<1x16xf32> to vector<16xf32>
        %swap3A_432 = vector.shape_cast %add3A_427 : vector<16xf32> to vector<1x16xf32>
        tpu.vector_store %arg8[%swap3A_428, %swap3A_429], %swap3A_432 {strides = array<i32>} : memref<80x256xf32, #tpu.memory_space<vmem>>, vector<1x16xf32>,
      }
      %scan3A_86 = arith.constant 80 : i32
      %add3A_87 = arith.addi %multiple_of3A, %add3A_64 : i32
      %dma_start3A_88 = arith.constant 0 : i32
      %dma_start3A_89 = arith.constant 0 : i32
      %dma_start3A_90 = tpu.memref_slice %arg5[%add3A_87, %dma_start3A_88, %dma_start3A_89] : memref<1024x80x256xf32, #tpu.memory_space<hbm>> -> memref<1x80x256xf32, #tpu.memory_space<hbm>>
      %dma_start3A_91 = tpu.memref_squeeze %dma_start3A_90 : memref<1x80x256xf32, #tpu.memory_space<hbm>> -> memref<80x256xf32, #tpu.memory_space<hbm>>
      %dma_start3A_92 = arith.constant 0 : i32
      %dma_start3A_93 = arith.constant 0 : i32
      %dma_start3A_94 = tpu.memref_slice %arg5[%add3A_87, %dma_start3A_92, %dma_start3A_93] : memref<1024x80x256xf32, #tpu.memory_space<hbm>> -> memref<1x80x256xf32, #tpu.memory_space<hbm>>
      %dma_start3A_95 = tpu.memref_squeeze %dma_start3A_94 : memref<1x80x256xf32, #tpu.memory_space<hbm>> -> memref<80x256xf32, #tpu.memory_space<hbm>>
      tpu.enqueue_dma source(%arg8 : memref<80x256xf32, #tpu.memory_space<vmem>>) target(%dma_start3A_95 : memref<80x256xf32, #tpu.memory_space<hbm>>) target_semaphore(%arg16 : memref<!tpu.dma_semaphore, #tpu.memory_space<semaphore_mem>>)
      %add3A_96 = arith.constant 1 : i32
      %add3A_97 = arith.addi %mul3A_62, %add3A_96 : i32
      %add3A_98 = arith.constant 2 : i32
      %add3A_99 = arith.addi %add3A_97, %add3A_98 : i32
      %ge3A_100 = arith.constant 4 : i32
      %ge3A_101 = arith.cmpi sge, %add3A_99, %ge3A_100 : i32
      %lt3A_102 = arith.constant 32 : i32
      %lt3A_103 = arith.cmpi slt, %add3A_99, %lt3A_102 : i32
      %and3A_104 = arith.andi %ge3A_101, %lt3A_103 : i1
      %convert_element_type3A_105 = arith.extui %and3A_104 : i1 to i32
      %cond3A_106 = arith.constant 0 : i32
      %cond3A_107 = arith.cmpi ne, %convert_element_type3A_105, %cond3A_106 : i32
      scf.if %cond3A_107 {
        %sub3A = arith.constant 4 : i32
        %sub3A_210 = arith.subi %add3A_99, %sub3A : i32
        %add3A_211 = arith.addi %multiple_of3A, %sub3A_210 : i32
        %dma_wait3A_212 = arith.constant 0 : i32
        %dma_wait3A_213 = arith.constant 0 : i32
        %dma_wait3A_214 = tpu.memref_slice %arg5[%add3A_211, %dma_wait3A_212, %dma_wait3A_213] : memref<1024x80x256xf32, #tpu.memory_space<hbm>> -> memref<1x80x256xf32, #tpu.memory_space<hbm>>
        %dma_wait3A_215 = tpu.memref_squeeze %dma_wait3A_214 : memref<1x80x256xf32, #tpu.memory_space<hbm>> -> memref<80x256xf32, #tpu.memory_space<hbm>>
        %dma_wait3A_216 = arith.constant 0 : i32
        %dma_wait3A_217 = arith.constant 0 : i32
        %dma_wait3A_218 = tpu.memref_slice %arg5[%add3A_211, %dma_wait3A_216, %dma_wait3A_217] : memref<1024x80x256xf32, #tpu.memory_space<hbm>> -> memref<1x80x256xf32, #tpu.memory_space<hbm>>
        %dma_wait3A_219 = tpu.memref_squeeze %dma_wait3A_218 : memref<1x80x256xf32, #tpu.memory_space<hbm>> -> memref<80x256xf32, #tpu.memory_space<hbm>>
        tpu.wait_dma2 semaphore(%arg19 : memref<!tpu.dma_semaphore, #tpu.memory_space<semaphore_mem>>) src(%arg11 : memref<80x256xf32, #tpu.memory_space<vmem>>) dst(%dma_wait3A_219 : memref<80x256xf32, #tpu.memory_space<hbm>>)
      } else {
      }
      %lt3A_108 = arith.constant 32 : i32
      %lt3A_109 = arith.cmpi slt, %add3A_99, %lt3A_108 : i32
      %convert_element_type3A_110 = arith.extui %lt3A_109 : i1 to i32
      %cond3A_111 = arith.constant 0 : i32
      %cond3A_112 = arith.cmpi ne, %convert_element_type3A_110, %cond3A_111 : i32
      scf.if %cond3A_112 {
        %dma_start3A_210 = arith.constant 0 : i32
        %dma_start3A_211 = tpu.memref_slice %arg6[%add3A_99, %dma_start3A_210] : memref<32x80xi32, #tpu.memory_space<vmem>> -> memref<1x80xi32, #tpu.memory_space<vmem>>
        %dma_start3A_212 = tpu.memref_squeeze %dma_start3A_211 : memref<1x80xi32, #tpu.memory_space<vmem>> -> memref<80xi32, #tpu.memory_space<vmem>>
        %dma_start3A_213 = arith.constant 0 : i32
        %dma_start3A_214 = arith.constant 0 : i32
        %dma_start3A_215 = tpu.memref_slice %arg3[%dma_start3A_213, %dma_start3A_214] : memref<50257x256xf32, #tpu.memory_space<hbm>> -> memref<50257x256xf32, #tpu.memory_space<hbm>>
        tpu.enqueue_indirect_dma source(%dma_start3A_215 : memref<50257x256xf32, #tpu.memory_space<hbm>>) target(%arg11 : memref<80x256xf32, #tpu.memory_space<vmem>>) offsets(%dma_start3A_212 : memref<80xi32, #tpu.memory_space<vmem>>) semaphore(%arg15 : memref<!tpu.dma_semaphore, #tpu.memory_space<semaphore_mem>>)
      } else {
      }
      %dma_wait3A_113 = arith.constant 0 : i32
      %dma_wait3A_114 = tpu.memref_slice %arg6[%add3A_97, %dma_wait3A_113] : memref<32x80xi32, #tpu.memory_space<vmem>> -> memref<1x80xi32, #tpu.memory_space<vmem>>
      %dma_wait3A_115 = tpu.memref_squeeze %dma_wait3A_114 : memref<1x80xi32, #tpu.memory_space<vmem>> -> memref<80xi32, #tpu.memory_space<vmem>>
      %dma_wait3A_116 = arith.constant 0 : i32
      %dma_wait3A_117 = arith.constant 0 : i32
      %dma_wait3A_118 = tpu.memref_slice %arg3[%dma_wait3A_116, %dma_wait3A_117] : memref<50257x256xf32, #tpu.memory_space<hbm>> -> memref<50257x256xf32, #tpu.memory_space<hbm>>
      tpu.wait_indirect_dma semaphore(%arg13 : memref<!tpu.dma_semaphore, #tpu.memory_space<semaphore_mem>>) src(%dma_wait3A_118 : memref<50257x256xf32, #tpu.memory_space<hbm>>) dst(%arg9 : memref<80x256xf32, #tpu.memory_space<vmem>>)
      %scan3A_119 = arith.constant 0 : i32
      %scan3A_120 = arith.constant 0 : i32
      %scan3A_121 = arith.constant 80 : i32
      %scan3A_122 = arith.addi %scan3A_120, %scan3A_121 : i32
      %scan3A_123 = arith.constant 1 : i32
      scf.for %scan3A_210 = %scan3A_120 to %scan3A_122 step %scan3A_123  : i32 {
        %get3A = arith.index_cast %scan3A_210 : i32 to index
        %get3A_211 = arith.constant 0 : index
        %get3A_212 = tpu.vector_load %arg9[%get3A, %get3A_211] {strides = array<i32>} : memref<80x256xf32, #tpu.memory_space<vmem>>, vector<1x16xf32>,
        %get3A_213 = vector.shape_cast %get3A_212 : vector<1x16xf32> to vector<16xf32>
        %get3A_214 = arith.index_cast %scan3A_210 : i32 to index
        %get3A_215 = arith.constant 0 : index
        %get3A_216 = tpu.vector_load %arg7[%get3A_214, %get3A_215] {strides = array<i32>} : memref<80x256xf32, #tpu.memory_space<vmem>>, vector<1x16xf32>,
        %get3A_217 = vector.shape_cast %get3A_216 : vector<1x16xf32> to vector<16xf32>
        %add3A_218 = arith.addf %get3A_213, %get3A_217 : vector<16xf32>
        %swap3A = arith.index_cast %scan3A_210 : i32 to index
        %swap3A_219 = arith.constant 0 : index
        %swap3A_220 = tpu.vector_load %arg9[%swap3A, %swap3A_219] {strides = array<i32>} : memref<80x256xf32, #tpu.memory_space<vmem>>, vector<1x16xf32>,
        %swap3A_221 = vector.shape_cast %swap3A_220 : vector<1x16xf32> to vector<16xf32>
        %swap3A_222 = vector.shape_cast %add3A_218 : vector<16xf32> to vector<1x16xf32>
        tpu.vector_store %arg9[%swap3A, %swap3A_219], %swap3A_222 {strides = array<i32>} : memref<80x256xf32, #tpu.memory_space<vmem>>, vector<1x16xf32>,
        %get3A_223 = arith.index_cast %scan3A_210 : i32 to index
        %get3A_224 = arith.constant 16 : index
        %get3A_225 = tpu.vector_load %arg9[%get3A_223, %get3A_224] {strides = array<i32>} : memref<80x256xf32, #tpu.memory_space<vmem>>, vector<1x16xf32>,
        %get3A_226 = vector.shape_cast %get3A_225 : vector<1x16xf32> to vector<16xf32>
        %get3A_227 = arith.index_cast %scan3A_210 : i32 to index
        %get3A_228 = arith.constant 16 : index
        %get3A_229 = tpu.vector_load %arg7[%get3A_227, %get3A_228] {strides = array<i32>} : memref<80x256xf32, #tpu.memory_space<vmem>>, vector<1x16xf32>,
        %get3A_230 = vector.shape_cast %get3A_229 : vector<1x16xf32> to vector<16xf32>
        %add3A_231 = arith.addf %get3A_226, %get3A_230 : vector<16xf32>
        %swap3A_232 = arith.index_cast %scan3A_210 : i32 to index
        %swap3A_233 = arith.constant 16 : index
        %swap3A_234 = tpu.vector_load %arg9[%swap3A_232, %swap3A_233] {strides = array<i32>} : memref<80x256xf32, #tpu.memory_space<vmem>>, vector<1x16xf32>,
        %swap3A_235 = vector.shape_cast %swap3A_234 : vector<1x16xf32> to vector<16xf32>
        %swap3A_236 = vector.shape_cast %add3A_231 : vector<16xf32> to vector<1x16xf32>
        tpu.vector_store %arg9[%swap3A_232, %swap3A_233], %swap3A_236 {strides = array<i32>} : memref<80x256xf32, #tpu.memory_space<vmem>>, vector<1x16xf32>,
        %get3A_237 = arith.index_cast %scan3A_210 : i32 to index
        %get3A_238 = arith.constant 32 : index
        %get3A_239 = tpu.vector_load %arg9[%get3A_237, %get3A_238] {strides = array<i32>} : memref<80x256xf32, #tpu.memory_space<vmem>>, vector<1x16xf32>,
        %get3A_240 = vector.shape_cast %get3A_239 : vector<1x16xf32> to vector<16xf32>
        %get3A_241 = arith.index_cast %scan3A_210 : i32 to index
        %get3A_242 = arith.constant 32 : index
        %get3A_243 = tpu.vector_load %arg7[%get3A_241, %get3A_242] {strides = array<i32>} : memref<80x256xf32, #tpu.memory_space<vmem>>, vector<1x16xf32>,
        %get3A_244 = vector.shape_cast %get3A_243 : vector<1x16xf32> to vector<16xf32>
        %add3A_245 = arith.addf %get3A_240, %get3A_244 : vector<16xf32>
        %swap3A_246 = arith.index_cast %scan3A_210 : i32 to index
        %swap3A_247 = arith.constant 32 : index
        %swap3A_248 = tpu.vector_load %arg9[%swap3A_246, %swap3A_247] {strides = array<i32>} : memref<80x256xf32, #tpu.memory_space<vmem>>, vector<1x16xf32>,
        %swap3A_249 = vector.shape_cast %swap3A_248 : vector<1x16xf32> to vector<16xf32>
        %swap3A_250 = vector.shape_cast %add3A_245 : vector<16xf32> to vector<1x16xf32>
        tpu.vector_store %arg9[%swap3A_246, %swap3A_247], %swap3A_250 {strides = array<i32>} : memref<80x256xf32, #tpu.memory_space<vmem>>, vector<1x16xf32>,
        %get3A_251 = arith.index_cast %scan3A_210 : i32 to index
        %get3A_252 = arith.constant 48 : index
        %get3A_253 = tpu.vector_load %arg9[%get3A_251, %get3A_252] {strides = array<i32>} : memref<80x256xf32, #tpu.memory_space<vmem>>, vector<1x16xf32>,
        %get3A_254 = vector.shape_cast %get3A_253 : vector<1x16xf32> to vector<16xf32>
        %get3A_255 = arith.index_cast %scan3A_210 : i32 to index
        %get3A_256 = arith.constant 48 : index
        %get3A_257 = tpu.vector_load %arg7[%get3A_255, %get3A_256] {strides = array<i32>} : memref<80x256xf32, #tpu.memory_space<vmem>>, vector<1x16xf32>,
        %get3A_258 = vector.shape_cast %get3A_257 : vector<1x16xf32> to vector<16xf32>
        %add3A_259 = arith.addf %get3A_254, %get3A_258 : vector<16xf32>
        %swap3A_260 = arith.index_cast %scan3A_210 : i32 to index
        %swap3A_261 = arith.constant 48 : index
        %swap3A_262 = tpu.vector_load %arg9[%swap3A_260, %swap3A_261] {strides = array<i32>} : memref<80x256xf32, #tpu.memory_space<vmem>>, vector<1x16xf32>,
        %swap3A_263 = vector.shape_cast %swap3A_262 : vector<1x16xf32> to vector<16xf32>
        %swap3A_264 = vector.shape_cast %add3A_259 : vector<16xf32> to vector<1x16xf32>
        tpu.vector_store %arg9[%swap3A_260, %swap3A_261], %swap3A_264 {strides = array<i32>} : memref<80x256xf32, #tpu.memory_space<vmem>>, vector<1x16xf32>,
        %get3A_265 = arith.index_cast %scan3A_210 : i32 to index
        %get3A_266 = arith.constant 64 : index
        %get3A_267 = tpu.vector_load %arg9[%get3A_265, %get3A_266] {strides = array<i32>} : memref<80x256xf32, #tpu.memory_space<vmem>>, vector<1x16xf32>,
        %get3A_268 = vector.shape_cast %get3A_267 : vector<1x16xf32> to vector<16xf32>
        %get3A_269 = arith.index_cast %scan3A_210 : i32 to index
        %get3A_270 = arith.constant 64 : index
        %get3A_271 = tpu.vector_load %arg7[%get3A_269, %get3A_270] {strides = array<i32>} : memref<80x256xf32, #tpu.memory_space<vmem>>, vector<1x16xf32>,
        %get3A_272 = vector.shape_cast %get3A_271 : vector<1x16xf32> to vector<16xf32>
        %add3A_273 = arith.addf %get3A_268, %get3A_272 : vector<16xf32>
        %swap3A_274 = arith.index_cast %scan3A_210 : i32 to index
        %swap3A_275 = arith.constant 64 : index
        %swap3A_276 = tpu.vector_load %arg9[%swap3A_274, %swap3A_275] {strides = array<i32>} : memref<80x256xf32, #tpu.memory_space<vmem>>, vector<1x16xf32>,
        %swap3A_277 = vector.shape_cast %swap3A_276 : vector<1x16xf32> to vector<16xf32>
        %swap3A_278 = vector.shape_cast %add3A_273 : vector<16xf32> to vector<1x16xf32>
        tpu.vector_store %arg9[%swap3A_274, %swap3A_275], %swap3A_278 {strides = array<i32>} : memref<80x256xf32, #tpu.memory_space<vmem>>, vector<1x16xf32>,
        %get3A_279 = arith.index_cast %scan3A_210 : i32 to index
        %get3A_280 = arith.constant 80 : index
        %get3A_281 = tpu.vector_load %arg9[%get3A_279, %get3A_280] {strides = array<i32>} : memref<80x256xf32, #tpu.memory_space<vmem>>, vector<1x16xf32>,
        %get3A_282 = vector.shape_cast %get3A_281 : vector<1x16xf32> to vector<16xf32>
        %get3A_283 = arith.index_cast %scan3A_210 : i32 to index
        %get3A_284 = arith.constant 80 : index
        %get3A_285 = tpu.vector_load %arg7[%get3A_283, %get3A_284] {strides = array<i32>} : memref<80x256xf32, #tpu.memory_space<vmem>>, vector<1x16xf32>,
        %get3A_286 = vector.shape_cast %get3A_285 : vector<1x16xf32> to vector<16xf32>
        %add3A_287 = arith.addf %get3A_282, %get3A_286 : vector<16xf32>
        %swap3A_288 = arith.index_cast %scan3A_210 : i32 to index
        %swap3A_289 = arith.constant 80 : index
        %swap3A_290 = tpu.vector_load %arg9[%swap3A_288, %swap3A_289] {strides = array<i32>} : memref<80x256xf32, #tpu.memory_space<vmem>>, vector<1x16xf32>,
        %swap3A_291 = vector.shape_cast %swap3A_290 : vector<1x16xf32> to vector<16xf32>
        %swap3A_292 = vector.shape_cast %add3A_287 : vector<16xf32> to vector<1x16xf32>
        tpu.vector_store %arg9[%swap3A_288, %swap3A_289], %swap3A_292 {strides = array<i32>} : memref<80x256xf32, #tpu.memory_space<vmem>>, vector<1x16xf32>,
        %get3A_293 = arith.index_cast %scan3A_210 : i32 to index
        %get3A_294 = arith.constant 96 : index
        %get3A_295 = tpu.vector_load %arg9[%get3A_293, %get3A_294] {strides = array<i32>} : memref<80x256xf32, #tpu.memory_space<vmem>>, vector<1x16xf32>,
        %get3A_296 = vector.shape_cast %get3A_295 : vector<1x16xf32> to vector<16xf32>
        %get3A_297 = arith.index_cast %scan3A_210 : i32 to index
        %get3A_298 = arith.constant 96 : index
        %get3A_299 = tpu.vector_load %arg7[%get3A_297, %get3A_298] {strides = array<i32>} : memref<80x256xf32, #tpu.memory_space<vmem>>, vector<1x16xf32>,
        %get3A_300 = vector.shape_cast %get3A_299 : vector<1x16xf32> to vector<16xf32>
        %add3A_301 = arith.addf %get3A_296, %get3A_300 : vector<16xf32>
        %swap3A_302 = arith.index_cast %scan3A_210 : i32 to index
        %swap3A_303 = arith.constant 96 : index
        %swap3A_304 = tpu.vector_load %arg9[%swap3A_302, %swap3A_303] {strides = array<i32>} : memref<80x256xf32, #tpu.memory_space<vmem>>, vector<1x16xf32>,
        %swap3A_305 = vector.shape_cast %swap3A_304 : vector<1x16xf32> to vector<16xf32>
        %swap3A_306 = vector.shape_cast %add3A_301 : vector<16xf32> to vector<1x16xf32>
        tpu.vector_store %arg9[%swap3A_302, %swap3A_303], %swap3A_306 {strides = array<i32>} : memref<80x256xf32, #tpu.memory_space<vmem>>, vector<1x16xf32>,
        %get3A_307 = arith.index_cast %scan3A_210 : i32 to index
        %get3A_308 = arith.constant 112 : index
        %get3A_309 = tpu.vector_load %arg9[%get3A_307, %get3A_308] {strides = array<i32>} : memref<80x256xf32, #tpu.memory_space<vmem>>, vector<1x16xf32>,
        %get3A_310 = vector.shape_cast %get3A_309 : vector<1x16xf32> to vector<16xf32>
        %get3A_311 = arith.index_cast %scan3A_210 : i32 to index
        %get3A_312 = arith.constant 112 : index
        %get3A_313 = tpu.vector_load %arg7[%get3A_311, %get3A_312] {strides = array<i32>} : memref<80x256xf32, #tpu.memory_space<vmem>>, vector<1x16xf32>,
        %get3A_314 = vector.shape_cast %get3A_313 : vector<1x16xf32> to vector<16xf32>
        %add3A_315 = arith.addf %get3A_310, %get3A_314 : vector<16xf32>
        %swap3A_316 = arith.index_cast %scan3A_210 : i32 to index
        %swap3A_317 = arith.constant 112 : index
        %swap3A_318 = tpu.vector_load %arg9[%swap3A_316, %swap3A_317] {strides = array<i32>} : memref<80x256xf32, #tpu.memory_space<vmem>>, vector<1x16xf32>,
        %swap3A_319 = vector.shape_cast %swap3A_318 : vector<1x16xf32> to vector<16xf32>
        %swap3A_320 = vector.shape_cast %add3A_315 : vector<16xf32> to vector<1x16xf32>
        tpu.vector_store %arg9[%swap3A_316, %swap3A_317], %swap3A_320 {strides = array<i32>} : memref<80x256xf32, #tpu.memory_space<vmem>>, vector<1x16xf32>,
        %get3A_321 = arith.index_cast %scan3A_210 : i32 to index
        %get3A_322 = arith.constant 128 : index
        %get3A_323 = tpu.vector_load %arg9[%get3A_321, %get3A_322] {strides = array<i32>} : memref<80x256xf32, #tpu.memory_space<vmem>>, vector<1x16xf32>,
        %get3A_324 = vector.shape_cast %get3A_323 : vector<1x16xf32> to vector<16xf32>
        %get3A_325 = arith.index_cast %scan3A_210 : i32 to index
        %get3A_326 = arith.constant 128 : index
        %get3A_327 = tpu.vector_load %arg7[%get3A_325, %get3A_326] {strides = array<i32>} : memref<80x256xf32, #tpu.memory_space<vmem>>, vector<1x16xf32>,
        %get3A_328 = vector.shape_cast %get3A_327 : vector<1x16xf32> to vector<16xf32>
        %add3A_329 = arith.addf %get3A_324, %get3A_328 : vector<16xf32>
        %swap3A_330 = arith.index_cast %scan3A_210 : i32 to index
        %swap3A_331 = arith.constant 128 : index
        %swap3A_332 = tpu.vector_load %arg9[%swap3A_330, %swap3A_331] {strides = array<i32>} : memref<80x256xf32, #tpu.memory_space<vmem>>, vector<1x16xf32>,
        %swap3A_333 = vector.shape_cast %swap3A_332 : vector<1x16xf32> to vector<16xf32>
        %swap3A_334 = vector.shape_cast %add3A_329 : vector<16xf32> to vector<1x16xf32>
        tpu.vector_store %arg9[%swap3A_330, %swap3A_331], %swap3A_334 {strides = array<i32>} : memref<80x256xf32, #tpu.memory_space<vmem>>, vector<1x16xf32>,
        %get3A_335 = arith.index_cast %scan3A_210 : i32 to index
        %get3A_336 = arith.constant 144 : index
        %get3A_337 = tpu.vector_load %arg9[%get3A_335, %get3A_336] {strides = array<i32>} : memref<80x256xf32, #tpu.memory_space<vmem>>, vector<1x16xf32>,
        %get3A_338 = vector.shape_cast %get3A_337 : vector<1x16xf32> to vector<16xf32>
        %get3A_339 = arith.index_cast %scan3A_210 : i32 to index
        %get3A_340 = arith.constant 144 : index
        %get3A_341 = tpu.vector_load %arg7[%get3A_339, %get3A_340] {strides = array<i32>} : memref<80x256xf32, #tpu.memory_space<vmem>>, vector<1x16xf32>,
        %get3A_342 = vector.shape_cast %get3A_341 : vector<1x16xf32> to vector<16xf32>
        %add3A_343 = arith.addf %get3A_338, %get3A_342 : vector<16xf32>
        %swap3A_344 = arith.index_cast %scan3A_210 : i32 to index
        %swap3A_345 = arith.constant 144 : index
        %swap3A_346 = tpu.vector_load %arg9[%swap3A_344, %swap3A_345] {strides = array<i32>} : memref<80x256xf32, #tpu.memory_space<vmem>>, vector<1x16xf32>,
        %swap3A_347 = vector.shape_cast %swap3A_346 : vector<1x16xf32> to vector<16xf32>
        %swap3A_348 = vector.shape_cast %add3A_343 : vector<16xf32> to vector<1x16xf32>
        tpu.vector_store %arg9[%swap3A_344, %swap3A_345], %swap3A_348 {strides = array<i32>} : memref<80x256xf32, #tpu.memory_space<vmem>>, vector<1x16xf32>,
        %get3A_349 = arith.index_cast %scan3A_210 : i32 to index
        %get3A_350 = arith.constant 160 : index
        %get3A_351 = tpu.vector_load %arg9[%get3A_349, %get3A_350] {strides = array<i32>} : memref<80x256xf32, #tpu.memory_space<vmem>>, vector<1x16xf32>,
        %get3A_352 = vector.shape_cast %get3A_351 : vector<1x16xf32> to vector<16xf32>
        %get3A_353 = arith.index_cast %scan3A_210 : i32 to index
        %get3A_354 = arith.constant 160 : index
        %get3A_355 = tpu.vector_load %arg7[%get3A_353, %get3A_354] {strides = array<i32>} : memref<80x256xf32, #tpu.memory_space<vmem>>, vector<1x16xf32>,
        %get3A_356 = vector.shape_cast %get3A_355 : vector<1x16xf32> to vector<16xf32>
        %add3A_357 = arith.addf %get3A_352, %get3A_356 : vector<16xf32>
        %swap3A_358 = arith.index_cast %scan3A_210 : i32 to index
        %swap3A_359 = arith.constant 160 : index
        %swap3A_360 = tpu.vector_load %arg9[%swap3A_358, %swap3A_359] {strides = array<i32>} : memref<80x256xf32, #tpu.memory_space<vmem>>, vector<1x16xf32>,
        %swap3A_361 = vector.shape_cast %swap3A_360 : vector<1x16xf32> to vector<16xf32>
        %swap3A_362 = vector.shape_cast %add3A_357 : vector<16xf32> to vector<1x16xf32>
        tpu.vector_store %arg9[%swap3A_358, %swap3A_359], %swap3A_362 {strides = array<i32>} : memref<80x256xf32, #tpu.memory_space<vmem>>, vector<1x16xf32>,
        %get3A_363 = arith.index_cast %scan3A_210 : i32 to index
        %get3A_364 = arith.constant 176 : index
        %get3A_365 = tpu.vector_load %arg9[%get3A_363, %get3A_364] {strides = array<i32>} : memref<80x256xf32, #tpu.memory_space<vmem>>, vector<1x16xf32>,
        %get3A_366 = vector.shape_cast %get3A_365 : vector<1x16xf32> to vector<16xf32>
        %get3A_367 = arith.index_cast %scan3A_210 : i32 to index
        %get3A_368 = arith.constant 176 : index
        %get3A_369 = tpu.vector_load %arg7[%get3A_367, %get3A_368] {strides = array<i32>} : memref<80x256xf32, #tpu.memory_space<vmem>>, vector<1x16xf32>,
        %get3A_370 = vector.shape_cast %get3A_369 : vector<1x16xf32> to vector<16xf32>
        %add3A_371 = arith.addf %get3A_366, %get3A_370 : vector<16xf32>
        %swap3A_372 = arith.index_cast %scan3A_210 : i32 to index
        %swap3A_373 = arith.constant 176 : index
        %swap3A_374 = tpu.vector_load %arg9[%swap3A_372, %swap3A_373] {strides = array<i32>} : memref<80x256xf32, #tpu.memory_space<vmem>>, vector<1x16xf32>,
        %swap3A_375 = vector.shape_cast %swap3A_374 : vector<1x16xf32> to vector<16xf32>
        %swap3A_376 = vector.shape_cast %add3A_371 : vector<16xf32> to vector<1x16xf32>
        tpu.vector_store %arg9[%swap3A_372, %swap3A_373], %swap3A_376 {strides = array<i32>} : memref<80x256xf32, #tpu.memory_space<vmem>>, vector<1x16xf32>,
        %get3A_377 = arith.index_cast %scan3A_210 : i32 to index
        %get3A_378 = arith.constant 192 : index
        %get3A_379 = tpu.vector_load %arg9[%get3A_377, %get3A_378] {strides = array<i32>} : memref<80x256xf32, #tpu.memory_space<vmem>>, vector<1x16xf32>,
        %get3A_380 = vector.shape_cast %get3A_379 : vector<1x16xf32> to vector<16xf32>
        %get3A_381 = arith.index_cast %scan3A_210 : i32 to index
        %get3A_382 = arith.constant 192 : index
        %get3A_383 = tpu.vector_load %arg7[%get3A_381, %get3A_382] {strides = array<i32>} : memref<80x256xf32, #tpu.memory_space<vmem>>, vector<1x16xf32>,
        %get3A_384 = vector.shape_cast %get3A_383 : vector<1x16xf32> to vector<16xf32>
        %add3A_385 = arith.addf %get3A_380, %get3A_384 : vector<16xf32>
        %swap3A_386 = arith.index_cast %scan3A_210 : i32 to index
        %swap3A_387 = arith.constant 192 : index
        %swap3A_388 = tpu.vector_load %arg9[%swap3A_386, %swap3A_387] {strides = array<i32>} : memref<80x256xf32, #tpu.memory_space<vmem>>, vector<1x16xf32>,
        %swap3A_389 = vector.shape_cast %swap3A_388 : vector<1x16xf32> to vector<16xf32>
        %swap3A_390 = vector.shape_cast %add3A_385 : vector<16xf32> to vector<1x16xf32>
        tpu.vector_store %arg9[%swap3A_386, %swap3A_387], %swap3A_390 {strides = array<i32>} : memref<80x256xf32, #tpu.memory_space<vmem>>, vector<1x16xf32>,
        %get3A_391 = arith.index_cast %scan3A_210 : i32 to index
        %get3A_392 = arith.constant 208 : index
        %get3A_393 = tpu.vector_load %arg9[%get3A_391, %get3A_392] {strides = array<i32>} : memref<80x256xf32, #tpu.memory_space<vmem>>, vector<1x16xf32>,
        %get3A_394 = vector.shape_cast %get3A_393 : vector<1x16xf32> to vector<16xf32>
        %get3A_395 = arith.index_cast %scan3A_210 : i32 to index
        %get3A_396 = arith.constant 208 : index
        %get3A_397 = tpu.vector_load %arg7[%get3A_395, %get3A_396] {strides = array<i32>} : memref<80x256xf32, #tpu.memory_space<vmem>>, vector<1x16xf32>,
        %get3A_398 = vector.shape_cast %get3A_397 : vector<1x16xf32> to vector<16xf32>
        %add3A_399 = arith.addf %get3A_394, %get3A_398 : vector<16xf32>
        %swap3A_400 = arith.index_cast %scan3A_210 : i32 to index
        %swap3A_401 = arith.constant 208 : index
        %swap3A_402 = tpu.vector_load %arg9[%swap3A_400, %swap3A_401] {strides = array<i32>} : memref<80x256xf32, #tpu.memory_space<vmem>>, vector<1x16xf32>,
        %swap3A_403 = vector.shape_cast %swap3A_402 : vector<1x16xf32> to vector<16xf32>
        %swap3A_404 = vector.shape_cast %add3A_399 : vector<16xf32> to vector<1x16xf32>
        tpu.vector_store %arg9[%swap3A_400, %swap3A_401], %swap3A_404 {strides = array<i32>} : memref<80x256xf32, #tpu.memory_space<vmem>>, vector<1x16xf32>,
        %get3A_405 = arith.index_cast %scan3A_210 : i32 to index
        %get3A_406 = arith.constant 224 : index
        %get3A_407 = tpu.vector_load %arg9[%get3A_405, %get3A_406] {strides = array<i32>} : memref<80x256xf32, #tpu.memory_space<vmem>>, vector<1x16xf32>,
        %get3A_408 = vector.shape_cast %get3A_407 : vector<1x16xf32> to vector<16xf32>
        %get3A_409 = arith.index_cast %scan3A_210 : i32 to index
        %get3A_410 = arith.constant 224 : index
        %get3A_411 = tpu.vector_load %arg7[%get3A_409, %get3A_410] {strides = array<i32>} : memref<80x256xf32, #tpu.memory_space<vmem>>, vector<1x16xf32>,
        %get3A_412 = vector.shape_cast %get3A_411 : vector<1x16xf32> to vector<16xf32>
        %add3A_413 = arith.addf %get3A_408, %get3A_412 : vector<16xf32>
        %swap3A_414 = arith.index_cast %scan3A_210 : i32 to index
        %swap3A_415 = arith.constant 224 : index
        %swap3A_416 = tpu.vector_load %arg9[%swap3A_414, %swap3A_415] {strides = array<i32>} : memref<80x256xf32, #tpu.memory_space<vmem>>, vector<1x16xf32>,
        %swap3A_417 = vector.shape_cast %swap3A_416 : vector<1x16xf32> to vector<16xf32>
        %swap3A_418 = vector.shape_cast %add3A_413 : vector<16xf32> to vector<1x16xf32>
        tpu.vector_store %arg9[%swap3A_414, %swap3A_415], %swap3A_418 {strides = array<i32>} : memref<80x256xf32, #tpu.memory_space<vmem>>, vector<1x16xf32>,
        %get3A_419 = arith.index_cast %scan3A_210 : i32 to index
        %get3A_420 = arith.constant 240 : index
        %get3A_421 = tpu.vector_load %arg9[%get3A_419, %get3A_420] {strides = array<i32>} : memref<80x256xf32, #tpu.memory_space<vmem>>, vector<1x16xf32>,
        %get3A_422 = vector.shape_cast %get3A_421 : vector<1x16xf32> to vector<16xf32>
        %get3A_423 = arith.index_cast %scan3A_210 : i32 to index
        %get3A_424 = arith.constant 240 : index
        %get3A_425 = tpu.vector_load %arg7[%get3A_423, %get3A_424] {strides = array<i32>} : memref<80x256xf32, #tpu.memory_space<vmem>>, vector<1x16xf32>,
        %get3A_426 = vector.shape_cast %get3A_425 : vector<1x16xf32> to vector<16xf32>
        %add3A_427 = arith.addf %get3A_422, %get3A_426 : vector<16xf32>
        %swap3A_428 = arith.index_cast %scan3A_210 : i32 to index
        %swap3A_429 = arith.constant 240 : index
        %swap3A_430 = tpu.vector_load %arg9[%swap3A_428, %swap3A_429] {strides = array<i32>} : memref<80x256xf32, #tpu.memory_space<vmem>>, vector<1x16xf32>,
        %swap3A_431 = vector.shape_cast %swap3A_430 : vector<1x16xf32> to vector<16xf32>
        %swap3A_432 = vector.shape_cast %add3A_427 : vector<16xf32> to vector<1x16xf32>
        tpu.vector_store %arg9[%swap3A_428, %swap3A_429], %swap3A_432 {strides = array<i32>} : memref<80x256xf32, #tpu.memory_space<vmem>>, vector<1x16xf32>,
      }
      %scan3A_124 = arith.constant 80 : i32
      %add3A_125 = arith.addi %multiple_of3A, %add3A_97 : i32
      %dma_start3A_126 = arith.constant 0 : i32
      %dma_start3A_127 = arith.constant 0 : i32
      %dma_start3A_128 = tpu.memref_slice %arg5[%add3A_125, %dma_start3A_126, %dma_start3A_127] : memref<1024x80x256xf32, #tpu.memory_space<hbm>> -> memref<1x80x256xf32, #tpu.memory_space<hbm>>
      %dma_start3A_129 = tpu.memref_squeeze %dma_start3A_128 : memref<1x80x256xf32, #tpu.memory_space<hbm>> -> memref<80x256xf32, #tpu.memory_space<hbm>>
      %dma_start3A_130 = arith.constant 0 : i32
      %dma_start3A_131 = arith.constant 0 : i32
      %dma_start3A_132 = tpu.memref_slice %arg5[%add3A_125, %dma_start3A_130, %dma_start3A_131] : memref<1024x80x256xf32, #tpu.memory_space<hbm>> -> memref<1x80x256xf32, #tpu.memory_space<hbm>>
      %dma_start3A_133 = tpu.memref_squeeze %dma_start3A_132 : memref<1x80x256xf32, #tpu.memory_space<hbm>> -> memref<80x256xf32, #tpu.memory_space<hbm>>
      tpu.enqueue_dma source(%arg9 : memref<80x256xf32, #tpu.memory_space<vmem>>) target(%dma_start3A_133 : memref<80x256xf32, #tpu.memory_space<hbm>>) target_semaphore(%arg17 : memref<!tpu.dma_semaphore, #tpu.memory_space<semaphore_mem>>)
      %add3A_134 = arith.constant 2 : i32
      %add3A_135 = arith.addi %mul3A_62, %add3A_134 : i32
      %add3A_136 = arith.constant 2 : i32
      %add3A_137 = arith.addi %add3A_135, %add3A_136 : i32
      %ge3A_138 = arith.constant 4 : i32
      %ge3A_139 = arith.cmpi sge, %add3A_137, %ge3A_138 : i32
      %lt3A_140 = arith.constant 32 : i32
      %lt3A_141 = arith.cmpi slt, %add3A_137, %lt3A_140 : i32
      %and3A_142 = arith.andi %ge3A_139, %lt3A_141 : i1
      %convert_element_type3A_143 = arith.extui %and3A_142 : i1 to i32
      %cond3A_144 = arith.constant 0 : i32
      %cond3A_145 = arith.cmpi ne, %convert_element_type3A_143, %cond3A_144 : i32
      scf.if %cond3A_145 {
        %sub3A = arith.constant 4 : i32
        %sub3A_210 = arith.subi %add3A_137, %sub3A : i32
        %add3A_211 = arith.addi %multiple_of3A, %sub3A_210 : i32
        %dma_wait3A_212 = arith.constant 0 : i32
        %dma_wait3A_213 = arith.constant 0 : i32
        %dma_wait3A_214 = tpu.memref_slice %arg5[%add3A_211, %dma_wait3A_212, %dma_wait3A_213] : memref<1024x80x256xf32, #tpu.memory_space<hbm>> -> memref<1x80x256xf32, #tpu.memory_space<hbm>>
        %dma_wait3A_215 = tpu.memref_squeeze %dma_wait3A_214 : memref<1x80x256xf32, #tpu.memory_space<hbm>> -> memref<80x256xf32, #tpu.memory_space<hbm>>
        %dma_wait3A_216 = arith.constant 0 : i32
        %dma_wait3A_217 = arith.constant 0 : i32
        %dma_wait3A_218 = tpu.memref_slice %arg5[%add3A_211, %dma_wait3A_216, %dma_wait3A_217] : memref<1024x80x256xf32, #tpu.memory_space<hbm>> -> memref<1x80x256xf32, #tpu.memory_space<hbm>>
        %dma_wait3A_219 = tpu.memref_squeeze %dma_wait3A_218 : memref<1x80x256xf32, #tpu.memory_space<hbm>> -> memref<80x256xf32, #tpu.memory_space<hbm>>
        tpu.wait_dma2 semaphore(%arg16 : memref<!tpu.dma_semaphore, #tpu.memory_space<semaphore_mem>>) src(%arg8 : memref<80x256xf32, #tpu.memory_space<vmem>>) dst(%dma_wait3A_219 : memref<80x256xf32, #tpu.memory_space<hbm>>)
      } else {
      }
      %lt3A_146 = arith.constant 32 : i32
      %lt3A_147 = arith.cmpi slt, %add3A_137, %lt3A_146 : i32
      %convert_element_type3A_148 = arith.extui %lt3A_147 : i1 to i32
      %cond3A_149 = arith.constant 0 : i32
      %cond3A_150 = arith.cmpi ne, %convert_element_type3A_148, %cond3A_149 : i32
      scf.if %cond3A_150 {
        %dma_start3A_210 = arith.constant 0 : i32
        %dma_start3A_211 = tpu.memref_slice %arg6[%add3A_137, %dma_start3A_210] : memref<32x80xi32, #tpu.memory_space<vmem>> -> memref<1x80xi32, #tpu.memory_space<vmem>>
        %dma_start3A_212 = tpu.memref_squeeze %dma_start3A_211 : memref<1x80xi32, #tpu.memory_space<vmem>> -> memref<80xi32, #tpu.memory_space<vmem>>
        %dma_start3A_213 = arith.constant 0 : i32
        %dma_start3A_214 = arith.constant 0 : i32
        %dma_start3A_215 = tpu.memref_slice %arg3[%dma_start3A_213, %dma_start3A_214] : memref<50257x256xf32, #tpu.memory_space<hbm>> -> memref<50257x256xf32, #tpu.memory_space<hbm>>
        tpu.enqueue_indirect_dma source(%dma_start3A_215 : memref<50257x256xf32, #tpu.memory_space<hbm>>) target(%arg8 : memref<80x256xf32, #tpu.memory_space<vmem>>) offsets(%dma_start3A_212 : memref<80xi32, #tpu.memory_space<vmem>>) semaphore(%arg12 : memref<!tpu.dma_semaphore, #tpu.memory_space<semaphore_mem>>)
      } else {
      }
      %dma_wait3A_151 = arith.constant 0 : i32
      %dma_wait3A_152 = tpu.memref_slice %arg6[%add3A_135, %dma_wait3A_151] : memref<32x80xi32, #tpu.memory_space<vmem>> -> memref<1x80xi32, #tpu.memory_space<vmem>>
      %dma_wait3A_153 = tpu.memref_squeeze %dma_wait3A_152 : memref<1x80xi32, #tpu.memory_space<vmem>> -> memref<80xi32, #tpu.memory_space<vmem>>
      %dma_wait3A_154 = arith.constant 0 : i32
      %dma_wait3A_155 = arith.constant 0 : i32
      %dma_wait3A_156 = tpu.memref_slice %arg3[%dma_wait3A_154, %dma_wait3A_155] : memref<50257x256xf32, #tpu.memory_space<hbm>> -> memref<50257x256xf32, #tpu.memory_space<hbm>>
      tpu.wait_indirect_dma semaphore(%arg14 : memref<!tpu.dma_semaphore, #tpu.memory_space<semaphore_mem>>) src(%dma_wait3A_156 : memref<50257x256xf32, #tpu.memory_space<hbm>>) dst(%arg10 : memref<80x256xf32, #tpu.memory_space<vmem>>)
      %scan3A_157 = arith.constant 0 : i32
      %scan3A_158 = arith.constant 0 : i32
      %scan3A_159 = arith.constant 80 : i32
      %scan3A_160 = arith.addi %scan3A_158, %scan3A_159 : i32
      %scan3A_161 = arith.constant 1 : i32
      scf.for %scan3A_210 = %scan3A_158 to %scan3A_160 step %scan3A_161  : i32 {
        %get3A = arith.index_cast %scan3A_210 : i32 to index
        %get3A_211 = arith.constant 0 : index
        %get3A_212 = tpu.vector_load %arg10[%get3A, %get3A_211] {strides = array<i32>} : memref<80x256xf32, #tpu.memory_space<vmem>>, vector<1x16xf32>,
        %get3A_213 = vector.shape_cast %get3A_212 : vector<1x16xf32> to vector<16xf32>
        %get3A_214 = arith.index_cast %scan3A_210 : i32 to index
        %get3A_215 = arith.constant 0 : index
        %get3A_216 = tpu.vector_load %arg7[%get3A_214, %get3A_215] {strides = array<i32>} : memref<80x256xf32, #tpu.memory_space<vmem>>, vector<1x16xf32>,
        %get3A_217 = vector.shape_cast %get3A_216 : vector<1x16xf32> to vector<16xf32>
        %add3A_218 = arith.addf %get3A_213, %get3A_217 : vector<16xf32>
        %swap3A = arith.index_cast %scan3A_210 : i32 to index
        %swap3A_219 = arith.constant 0 : index
        %swap3A_220 = tpu.vector_load %arg10[%swap3A, %swap3A_219] {strides = array<i32>} : memref<80x256xf32, #tpu.memory_space<vmem>>, vector<1x16xf32>,
        %swap3A_221 = vector.shape_cast %swap3A_220 : vector<1x16xf32> to vector<16xf32>
        %swap3A_222 = vector.shape_cast %add3A_218 : vector<16xf32> to vector<1x16xf32>
        tpu.vector_store %arg10[%swap3A, %swap3A_219], %swap3A_222 {strides = array<i32>} : memref<80x256xf32, #tpu.memory_space<vmem>>, vector<1x16xf32>,
        %get3A_223 = arith.index_cast %scan3A_210 : i32 to index
        %get3A_224 = arith.constant 16 : index
        %get3A_225 = tpu.vector_load %arg10[%get3A_223, %get3A_224] {strides = array<i32>} : memref<80x256xf32, #tpu.memory_space<vmem>>, vector<1x16xf32>,
        %get3A_226 = vector.shape_cast %get3A_225 : vector<1x16xf32> to vector<16xf32>
        %get3A_227 = arith.index_cast %scan3A_210 : i32 to index
        %get3A_228 = arith.constant 16 : index
        %get3A_229 = tpu.vector_load %arg7[%get3A_227, %get3A_228] {strides = array<i32>} : memref<80x256xf32, #tpu.memory_space<vmem>>, vector<1x16xf32>,
        %get3A_230 = vector.shape_cast %get3A_229 : vector<1x16xf32> to vector<16xf32>
        %add3A_231 = arith.addf %get3A_226, %get3A_230 : vector<16xf32>
        %swap3A_232 = arith.index_cast %scan3A_210 : i32 to index
        %swap3A_233 = arith.constant 16 : index
        %swap3A_234 = tpu.vector_load %arg10[%swap3A_232, %swap3A_233] {strides = array<i32>} : memref<80x256xf32, #tpu.memory_space<vmem>>, vector<1x16xf32>,
        %swap3A_235 = vector.shape_cast %swap3A_234 : vector<1x16xf32> to vector<16xf32>
        %swap3A_236 = vector.shape_cast %add3A_231 : vector<16xf32> to vector<1x16xf32>
        tpu.vector_store %arg10[%swap3A_232, %swap3A_233], %swap3A_236 {strides = array<i32>} : memref<80x256xf32, #tpu.memory_space<vmem>>, vector<1x16xf32>,
        %get3A_237 = arith.index_cast %scan3A_210 : i32 to index
        %get3A_238 = arith.constant 32 : index
        %get3A_239 = tpu.vector_load %arg10[%get3A_237, %get3A_238] {strides = array<i32>} : memref<80x256xf32, #tpu.memory_space<vmem>>, vector<1x16xf32>,
        %get3A_240 = vector.shape_cast %get3A_239 : vector<1x16xf32> to vector<16xf32>
        %get3A_241 = arith.index_cast %scan3A_210 : i32 to index
        %get3A_242 = arith.constant 32 : index
        %get3A_243 = tpu.vector_load %arg7[%get3A_241, %get3A_242] {strides = array<i32>} : memref<80x256xf32, #tpu.memory_space<vmem>>, vector<1x16xf32>,
        %get3A_244 = vector.shape_cast %get3A_243 : vector<1x16xf32> to vector<16xf32>
        %add3A_245 = arith.addf %get3A_240, %get3A_244 : vector<16xf32>
        %swap3A_246 = arith.index_cast %scan3A_210 : i32 to index
        %swap3A_247 = arith.constant 32 : index
        %swap3A_248 = tpu.vector_load %arg10[%swap3A_246, %swap3A_247] {strides = array<i32>} : memref<80x256xf32, #tpu.memory_space<vmem>>, vector<1x16xf32>,
        %swap3A_249 = vector.shape_cast %swap3A_248 : vector<1x16xf32> to vector<16xf32>
        %swap3A_250 = vector.shape_cast %add3A_245 : vector<16xf32> to vector<1x16xf32>
        tpu.vector_store %arg10[%swap3A_246, %swap3A_247], %swap3A_250 {strides = array<i32>} : memref<80x256xf32, #tpu.memory_space<vmem>>, vector<1x16xf32>,
        %get3A_251 = arith.index_cast %scan3A_210 : i32 to index
        %get3A_252 = arith.constant 48 : index
        %get3A_253 = tpu.vector_load %arg10[%get3A_251, %get3A_252] {strides = array<i32>} : memref<80x256xf32, #tpu.memory_space<vmem>>, vector<1x16xf32>,
        %get3A_254 = vector.shape_cast %get3A_253 : vector<1x16xf32> to vector<16xf32>
        %get3A_255 = arith.index_cast %scan3A_210 : i32 to index
        %get3A_256 = arith.constant 48 : index
        %get3A_257 = tpu.vector_load %arg7[%get3A_255, %get3A_256] {strides = array<i32>} : memref<80x256xf32, #tpu.memory_space<vmem>>, vector<1x16xf32>,
        %get3A_258 = vector.shape_cast %get3A_257 : vector<1x16xf32> to vector<16xf32>
        %add3A_259 = arith.addf %get3A_254, %get3A_258 : vector<16xf32>
        %swap3A_260 = arith.index_cast %scan3A_210 : i32 to index
        %swap3A_261 = arith.constant 48 : index
        %swap3A_262 = tpu.vector_load %arg10[%swap3A_260, %swap3A_261] {strides = array<i32>} : memref<80x256xf32, #tpu.memory_space<vmem>>, vector<1x16xf32>,
        %swap3A_263 = vector.shape_cast %swap3A_262 : vector<1x16xf32> to vector<16xf32>
        %swap3A_264 = vector.shape_cast %add3A_259 : vector<16xf32> to vector<1x16xf32>
        tpu.vector_store %arg10[%swap3A_260, %swap3A_261], %swap3A_264 {strides = array<i32>} : memref<80x256xf32, #tpu.memory_space<vmem>>, vector<1x16xf32>,
        %get3A_265 = arith.index_cast %scan3A_210 : i32 to index
        %get3A_266 = arith.constant 64 : index
        %get3A_267 = tpu.vector_load %arg10[%get3A_265, %get3A_266] {strides = array<i32>} : memref<80x256xf32, #tpu.memory_space<vmem>>, vector<1x16xf32>,
        %get3A_268 = vector.shape_cast %get3A_267 : vector<1x16xf32> to vector<16xf32>
        %get3A_269 = arith.index_cast %scan3A_210 : i32 to index
        %get3A_270 = arith.constant 64 : index
        %get3A_271 = tpu.vector_load %arg7[%get3A_269, %get3A_270] {strides = array<i32>} : memref<80x256xf32, #tpu.memory_space<vmem>>, vector<1x16xf32>,
        %get3A_272 = vector.shape_cast %get3A_271 : vector<1x16xf32> to vector<16xf32>
        %add3A_273 = arith.addf %get3A_268, %get3A_272 : vector<16xf32>
        %swap3A_274 = arith.index_cast %scan3A_210 : i32 to index
        %swap3A_275 = arith.constant 64 : index
        %swap3A_276 = tpu.vector_load %arg10[%swap3A_274, %swap3A_275] {strides = array<i32>} : memref<80x256xf32, #tpu.memory_space<vmem>>, vector<1x16xf32>,
        %swap3A_277 = vector.shape_cast %swap3A_276 : vector<1x16xf32> to vector<16xf32>
        %swap3A_278 = vector.shape_cast %add3A_273 : vector<16xf32> to vector<1x16xf32>
        tpu.vector_store %arg10[%swap3A_274, %swap3A_275], %swap3A_278 {strides = array<i32>} : memref<80x256xf32, #tpu.memory_space<vmem>>, vector<1x16xf32>,
        %get3A_279 = arith.index_cast %scan3A_210 : i32 to index
        %get3A_280 = arith.constant 80 : index
        %get3A_281 = tpu.vector_load %arg10[%get3A_279, %get3A_280] {strides = array<i32>} : memref<80x256xf32, #tpu.memory_space<vmem>>, vector<1x16xf32>,
        %get3A_282 = vector.shape_cast %get3A_281 : vector<1x16xf32> to vector<16xf32>
        %get3A_283 = arith.index_cast %scan3A_210 : i32 to index
        %get3A_284 = arith.constant 80 : index
        %get3A_285 = tpu.vector_load %arg7[%get3A_283, %get3A_284] {strides = array<i32>} : memref<80x256xf32, #tpu.memory_space<vmem>>, vector<1x16xf32>,
        %get3A_286 = vector.shape_cast %get3A_285 : vector<1x16xf32> to vector<16xf32>
        %add3A_287 = arith.addf %get3A_282, %get3A_286 : vector<16xf32>
        %swap3A_288 = arith.index_cast %scan3A_210 : i32 to index
        %swap3A_289 = arith.constant 80 : index
        %swap3A_290 = tpu.vector_load %arg10[%swap3A_288, %swap3A_289] {strides = array<i32>} : memref<80x256xf32, #tpu.memory_space<vmem>>, vector<1x16xf32>,
        %swap3A_291 = vector.shape_cast %swap3A_290 : vector<1x16xf32> to vector<16xf32>
        %swap3A_292 = vector.shape_cast %add3A_287 : vector<16xf32> to vector<1x16xf32>
        tpu.vector_store %arg10[%swap3A_288, %swap3A_289], %swap3A_292 {strides = array<i32>} : memref<80x256xf32, #tpu.memory_space<vmem>>, vector<1x16xf32>,
        %get3A_293 = arith.index_cast %scan3A_210 : i32 to index
        %get3A_294 = arith.constant 96 : index
        %get3A_295 = tpu.vector_load %arg10[%get3A_293, %get3A_294] {strides = array<i32>} : memref<80x256xf32, #tpu.memory_space<vmem>>, vector<1x16xf32>,
        %get3A_296 = vector.shape_cast %get3A_295 : vector<1x16xf32> to vector<16xf32>
        %get3A_297 = arith.index_cast %scan3A_210 : i32 to index
        %get3A_298 = arith.constant 96 : index
        %get3A_299 = tpu.vector_load %arg7[%get3A_297, %get3A_298] {strides = array<i32>} : memref<80x256xf32, #tpu.memory_space<vmem>>, vector<1x16xf32>,
        %get3A_300 = vector.shape_cast %get3A_299 : vector<1x16xf32> to vector<16xf32>
        %add3A_301 = arith.addf %get3A_296, %get3A_300 : vector<16xf32>
        %swap3A_302 = arith.index_cast %scan3A_210 : i32 to index
        %swap3A_303 = arith.constant 96 : index
        %swap3A_304 = tpu.vector_load %arg10[%swap3A_302, %swap3A_303] {strides = array<i32>} : memref<80x256xf32, #tpu.memory_space<vmem>>, vector<1x16xf32>,
        %swap3A_305 = vector.shape_cast %swap3A_304 : vector<1x16xf32> to vector<16xf32>
        %swap3A_306 = vector.shape_cast %add3A_301 : vector<16xf32> to vector<1x16xf32>
        tpu.vector_store %arg10[%swap3A_302, %swap3A_303], %swap3A_306 {strides = array<i32>} : memref<80x256xf32, #tpu.memory_space<vmem>>, vector<1x16xf32>,
        %get3A_307 = arith.index_cast %scan3A_210 : i32 to index
        %get3A_308 = arith.constant 112 : index
        %get3A_309 = tpu.vector_load %arg10[%get3A_307, %get3A_308] {strides = array<i32>} : memref<80x256xf32, #tpu.memory_space<vmem>>, vector<1x16xf32>,
        %get3A_310 = vector.shape_cast %get3A_309 : vector<1x16xf32> to vector<16xf32>
        %get3A_311 = arith.index_cast %scan3A_210 : i32 to index
        %get3A_312 = arith.constant 112 : index
        %get3A_313 = tpu.vector_load %arg7[%get3A_311, %get3A_312] {strides = array<i32>} : memref<80x256xf32, #tpu.memory_space<vmem>>, vector<1x16xf32>,
        %get3A_314 = vector.shape_cast %get3A_313 : vector<1x16xf32> to vector<16xf32>
        %add3A_315 = arith.addf %get3A_310, %get3A_314 : vector<16xf32>
        %swap3A_316 = arith.index_cast %scan3A_210 : i32 to index
        %swap3A_317 = arith.constant 112 : index
        %swap3A_318 = tpu.vector_load %arg10[%swap3A_316, %swap3A_317] {strides = array<i32>} : memref<80x256xf32, #tpu.memory_space<vmem>>, vector<1x16xf32>,
        %swap3A_319 = vector.shape_cast %swap3A_318 : vector<1x16xf32> to vector<16xf32>
        %swap3A_320 = vector.shape_cast %add3A_315 : vector<16xf32> to vector<1x16xf32>
        tpu.vector_store %arg10[%swap3A_316, %swap3A_317], %swap3A_320 {strides = array<i32>} : memref<80x256xf32, #tpu.memory_space<vmem>>, vector<1x16xf32>,
        %get3A_321 = arith.index_cast %scan3A_210 : i32 to index
        %get3A_322 = arith.constant 128 : index
        %get3A_323 = tpu.vector_load %arg10[%get3A_321, %get3A_322] {strides = array<i32>} : memref<80x256xf32, #tpu.memory_space<vmem>>, vector<1x16xf32>,
        %get3A_324 = vector.shape_cast %get3A_323 : vector<1x16xf32> to vector<16xf32>
        %get3A_325 = arith.index_cast %scan3A_210 : i32 to index
        %get3A_326 = arith.constant 128 : index
        %get3A_327 = tpu.vector_load %arg7[%get3A_325, %get3A_326] {strides = array<i32>} : memref<80x256xf32, #tpu.memory_space<vmem>>, vector<1x16xf32>,
        %get3A_328 = vector.shape_cast %get3A_327 : vector<1x16xf32> to vector<16xf32>
        %add3A_329 = arith.addf %get3A_324, %get3A_328 : vector<16xf32>
        %swap3A_330 = arith.index_cast %scan3A_210 : i32 to index
        %swap3A_331 = arith.constant 128 : index
        %swap3A_332 = tpu.vector_load %arg10[%swap3A_330, %swap3A_331] {strides = array<i32>} : memref<80x256xf32, #tpu.memory_space<vmem>>, vector<1x16xf32>,
        %swap3A_333 = vector.shape_cast %swap3A_332 : vector<1x16xf32> to vector<16xf32>
        %swap3A_334 = vector.shape_cast %add3A_329 : vector<16xf32> to vector<1x16xf32>
        tpu.vector_store %arg10[%swap3A_330, %swap3A_331], %swap3A_334 {strides = array<i32>} : memref<80x256xf32, #tpu.memory_space<vmem>>, vector<1x16xf32>,
        %get3A_335 = arith.index_cast %scan3A_210 : i32 to index
        %get3A_336 = arith.constant 144 : index
        %get3A_337 = tpu.vector_load %arg10[%get3A_335, %get3A_336] {strides = array<i32>} : memref<80x256xf32, #tpu.memory_space<vmem>>, vector<1x16xf32>,
        %get3A_338 = vector.shape_cast %get3A_337 : vector<1x16xf32> to vector<16xf32>
        %get3A_339 = arith.index_cast %scan3A_210 : i32 to index
        %get3A_340 = arith.constant 144 : index
        %get3A_341 = tpu.vector_load %arg7[%get3A_339, %get3A_340] {strides = array<i32>} : memref<80x256xf32, #tpu.memory_space<vmem>>, vector<1x16xf32>,
        %get3A_342 = vector.shape_cast %get3A_341 : vector<1x16xf32> to vector<16xf32>
        %add3A_343 = arith.addf %get3A_338, %get3A_342 : vector<16xf32>
        %swap3A_344 = arith.index_cast %scan3A_210 : i32 to index
        %swap3A_345 = arith.constant 144 : index
        %swap3A_346 = tpu.vector_load %arg10[%swap3A_344, %swap3A_345] {strides = array<i32>} : memref<80x256xf32, #tpu.memory_space<vmem>>, vector<1x16xf32>,
        %swap3A_347 = vector.shape_cast %swap3A_346 : vector<1x16xf32> to vector<16xf32>
        %swap3A_348 = vector.shape_cast %add3A_343 : vector<16xf32> to vector<1x16xf32>
        tpu.vector_store %arg10[%swap3A_344, %swap3A_345], %swap3A_348 {strides = array<i32>} : memref<80x256xf32, #tpu.memory_space<vmem>>, vector<1x16xf32>,
        %get3A_349 = arith.index_cast %scan3A_210 : i32 to index
        %get3A_350 = arith.constant 160 : index
        %get3A_351 = tpu.vector_load %arg10[%get3A_349, %get3A_350] {strides = array<i32>} : memref<80x256xf32, #tpu.memory_space<vmem>>, vector<1x16xf32>,
        %get3A_352 = vector.shape_cast %get3A_351 : vector<1x16xf32> to vector<16xf32>
        %get3A_353 = arith.index_cast %scan3A_210 : i32 to index
        %get3A_354 = arith.constant 160 : index
        %get3A_355 = tpu.vector_load %arg7[%get3A_353, %get3A_354] {strides = array<i32>} : memref<80x256xf32, #tpu.memory_space<vmem>>, vector<1x16xf32>,
        %get3A_356 = vector.shape_cast %get3A_355 : vector<1x16xf32> to vector<16xf32>
        %add3A_357 = arith.addf %get3A_352, %get3A_356 : vector<16xf32>
        %swap3A_358 = arith.index_cast %scan3A_210 : i32 to index
        %swap3A_359 = arith.constant 160 : index
        %swap3A_360 = tpu.vector_load %arg10[%swap3A_358, %swap3A_359] {strides = array<i32>} : memref<80x256xf32, #tpu.memory_space<vmem>>, vector<1x16xf32>,
        %swap3A_361 = vector.shape_cast %swap3A_360 : vector<1x16xf32> to vector<16xf32>
        %swap3A_362 = vector.shape_cast %add3A_357 : vector<16xf32> to vector<1x16xf32>
        tpu.vector_store %arg10[%swap3A_358, %swap3A_359], %swap3A_362 {strides = array<i32>} : memref<80x256xf32, #tpu.memory_space<vmem>>, vector<1x16xf32>,
        %get3A_363 = arith.index_cast %scan3A_210 : i32 to index
        %get3A_364 = arith.constant 176 : index
        %get3A_365 = tpu.vector_load %arg10[%get3A_363, %get3A_364] {strides = array<i32>} : memref<80x256xf32, #tpu.memory_space<vmem>>, vector<1x16xf32>,
        %get3A_366 = vector.shape_cast %get3A_365 : vector<1x16xf32> to vector<16xf32>
        %get3A_367 = arith.index_cast %scan3A_210 : i32 to index
        %get3A_368 = arith.constant 176 : index
        %get3A_369 = tpu.vector_load %arg7[%get3A_367, %get3A_368] {strides = array<i32>} : memref<80x256xf32, #tpu.memory_space<vmem>>, vector<1x16xf32>,
        %get3A_370 = vector.shape_cast %get3A_369 : vector<1x16xf32> to vector<16xf32>
        %add3A_371 = arith.addf %get3A_366, %get3A_370 : vector<16xf32>
        %swap3A_372 = arith.index_cast %scan3A_210 : i32 to index
        %swap3A_373 = arith.constant 176 : index
        %swap3A_374 = tpu.vector_load %arg10[%swap3A_372, %swap3A_373] {strides = array<i32>} : memref<80x256xf32, #tpu.memory_space<vmem>>, vector<1x16xf32>,
        %swap3A_375 = vector.shape_cast %swap3A_374 : vector<1x16xf32> to vector<16xf32>
        %swap3A_376 = vector.shape_cast %add3A_371 : vector<16xf32> to vector<1x16xf32>
        tpu.vector_store %arg10[%swap3A_372, %swap3A_373], %swap3A_376 {strides = array<i32>} : memref<80x256xf32, #tpu.memory_space<vmem>>, vector<1x16xf32>,
        %get3A_377 = arith.index_cast %scan3A_210 : i32 to index
        %get3A_378 = arith.constant 192 : index
        %get3A_379 = tpu.vector_load %arg10[%get3A_377, %get3A_378] {strides = array<i32>} : memref<80x256xf32, #tpu.memory_space<vmem>>, vector<1x16xf32>,
        %get3A_380 = vector.shape_cast %get3A_379 : vector<1x16xf32> to vector<16xf32>
        %get3A_381 = arith.index_cast %scan3A_210 : i32 to index
        %get3A_382 = arith.constant 192 : index
        %get3A_383 = tpu.vector_load %arg7[%get3A_381, %get3A_382] {strides = array<i32>} : memref<80x256xf32, #tpu.memory_space<vmem>>, vector<1x16xf32>,
        %get3A_384 = vector.shape_cast %get3A_383 : vector<1x16xf32> to vector<16xf32>
        %add3A_385 = arith.addf %get3A_380, %get3A_384 : vector<16xf32>
        %swap3A_386 = arith.index_cast %scan3A_210 : i32 to index
        %swap3A_387 = arith.constant 192 : index
        %swap3A_388 = tpu.vector_load %arg10[%swap3A_386, %swap3A_387] {strides = array<i32>} : memref<80x256xf32, #tpu.memory_space<vmem>>, vector<1x16xf32>,
        %swap3A_389 = vector.shape_cast %swap3A_388 : vector<1x16xf32> to vector<16xf32>
        %swap3A_390 = vector.shape_cast %add3A_385 : vector<16xf32> to vector<1x16xf32>
        tpu.vector_store %arg10[%swap3A_386, %swap3A_387], %swap3A_390 {strides = array<i32>} : memref<80x256xf32, #tpu.memory_space<vmem>>, vector<1x16xf32>,
        %get3A_391 = arith.index_cast %scan3A_210 : i32 to index
        %get3A_392 = arith.constant 208 : index
        %get3A_393 = tpu.vector_load %arg10[%get3A_391, %get3A_392] {strides = array<i32>} : memref<80x256xf32, #tpu.memory_space<vmem>>, vector<1x16xf32>,
        %get3A_394 = vector.shape_cast %get3A_393 : vector<1x16xf32> to vector<16xf32>
        %get3A_395 = arith.index_cast %scan3A_210 : i32 to index
        %get3A_396 = arith.constant 208 : index
        %get3A_397 = tpu.vector_load %arg7[%get3A_395, %get3A_396] {strides = array<i32>} : memref<80x256xf32, #tpu.memory_space<vmem>>, vector<1x16xf32>,
        %get3A_398 = vector.shape_cast %get3A_397 : vector<1x16xf32> to vector<16xf32>
        %add3A_399 = arith.addf %get3A_394, %get3A_398 : vector<16xf32>
        %swap3A_400 = arith.index_cast %scan3A_210 : i32 to index
        %swap3A_401 = arith.constant 208 : index
        %swap3A_402 = tpu.vector_load %arg10[%swap3A_400, %swap3A_401] {strides = array<i32>} : memref<80x256xf32, #tpu.memory_space<vmem>>, vector<1x16xf32>,
        %swap3A_403 = vector.shape_cast %swap3A_402 : vector<1x16xf32> to vector<16xf32>
        %swap3A_404 = vector.shape_cast %add3A_399 : vector<16xf32> to vector<1x16xf32>
        tpu.vector_store %arg10[%swap3A_400, %swap3A_401], %swap3A_404 {strides = array<i32>} : memref<80x256xf32, #tpu.memory_space<vmem>>, vector<1x16xf32>,
        %get3A_405 = arith.index_cast %scan3A_210 : i32 to index
        %get3A_406 = arith.constant 224 : index
        %get3A_407 = tpu.vector_load %arg10[%get3A_405, %get3A_406] {strides = array<i32>} : memref<80x256xf32, #tpu.memory_space<vmem>>, vector<1x16xf32>,
        %get3A_408 = vector.shape_cast %get3A_407 : vector<1x16xf32> to vector<16xf32>
        %get3A_409 = arith.index_cast %scan3A_210 : i32 to index
        %get3A_410 = arith.constant 224 : index
        %get3A_411 = tpu.vector_load %arg7[%get3A_409, %get3A_410] {strides = array<i32>} : memref<80x256xf32, #tpu.memory_space<vmem>>, vector<1x16xf32>,
        %get3A_412 = vector.shape_cast %get3A_411 : vector<1x16xf32> to vector<16xf32>
        %add3A_413 = arith.addf %get3A_408, %get3A_412 : vector<16xf32>
        %swap3A_414 = arith.index_cast %scan3A_210 : i32 to index
        %swap3A_415 = arith.constant 224 : index
        %swap3A_416 = tpu.vector_load %arg10[%swap3A_414, %swap3A_415] {strides = array<i32>} : memref<80x256xf32, #tpu.memory_space<vmem>>, vector<1x16xf32>,
        %swap3A_417 = vector.shape_cast %swap3A_416 : vector<1x16xf32> to vector<16xf32>
        %swap3A_418 = vector.shape_cast %add3A_413 : vector<16xf32> to vector<1x16xf32>
        tpu.vector_store %arg10[%swap3A_414, %swap3A_415], %swap3A_418 {strides = array<i32>} : memref<80x256xf32, #tpu.memory_space<vmem>>, vector<1x16xf32>,
        %get3A_419 = arith.index_cast %scan3A_210 : i32 to index
        %get3A_420 = arith.constant 240 : index
        %get3A_421 = tpu.vector_load %arg10[%get3A_419, %get3A_420] {strides = array<i32>} : memref<80x256xf32, #tpu.memory_space<vmem>>, vector<1x16xf32>,
        %get3A_422 = vector.shape_cast %get3A_421 : vector<1x16xf32> to vector<16xf32>
        %get3A_423 = arith.index_cast %scan3A_210 : i32 to index
        %get3A_424 = arith.constant 240 : index
        %get3A_425 = tpu.vector_load %arg7[%get3A_423, %get3A_424] {strides = array<i32>} : memref<80x256xf32, #tpu.memory_space<vmem>>, vector<1x16xf32>,
        %get3A_426 = vector.shape_cast %get3A_425 : vector<1x16xf32> to vector<16xf32>
        %add3A_427 = arith.addf %get3A_422, %get3A_426 : vector<16xf32>
        %swap3A_428 = arith.index_cast %scan3A_210 : i32 to index
        %swap3A_429 = arith.constant 240 : index
        %swap3A_430 = tpu.vector_load %arg10[%swap3A_428, %swap3A_429] {strides = array<i32>} : memref<80x256xf32, #tpu.memory_space<vmem>>, vector<1x16xf32>,
        %swap3A_431 = vector.shape_cast %swap3A_430 : vector<1x16xf32> to vector<16xf32>
        %swap3A_432 = vector.shape_cast %add3A_427 : vector<16xf32> to vector<1x16xf32>
        tpu.vector_store %arg10[%swap3A_428, %swap3A_429], %swap3A_432 {strides = array<i32>} : memref<80x256xf32, #tpu.memory_space<vmem>>, vector<1x16xf32>,
      }
      %scan3A_162 = arith.constant 80 : i32
      %add3A_163 = arith.addi %multiple_of3A, %add3A_135 : i32
      %dma_start3A_164 = arith.constant 0 : i32
      %dma_start3A_165 = arith.constant 0 : i32
      %dma_start3A_166 = tpu.memref_slice %arg5[%add3A_163, %dma_start3A_164, %dma_start3A_165] : memref<1024x80x256xf32, #tpu.memory_space<hbm>> -> memref<1x80x256xf32, #tpu.memory_space<hbm>>
      %dma_start3A_167 = tpu.memref_squeeze %dma_start3A_166 : memref<1x80x256xf32, #tpu.memory_space<hbm>> -> memref<80x256xf32, #tpu.memory_space<hbm>>
      %dma_start3A_168 = arith.constant 0 : i32
      %dma_start3A_169 = arith.constant 0 : i32
      %dma_start3A_170 = tpu.memref_slice %arg5[%add3A_163, %dma_start3A_168, %dma_start3A_169] : memref<1024x80x256xf32, #tpu.memory_space<hbm>> -> memref<1x80x256xf32, #tpu.memory_space<hbm>>
      %dma_start3A_171 = tpu.memref_squeeze %dma_start3A_170 : memref<1x80x256xf32, #tpu.memory_space<hbm>> -> memref<80x256xf32, #tpu.memory_space<hbm>>
      tpu.enqueue_dma source(%arg10 : memref<80x256xf32, #tpu.memory_space<vmem>>) target(%dma_start3A_171 : memref<80x256xf32, #tpu.memory_space<hbm>>) target_semaphore(%arg18 : memref<!tpu.dma_semaphore, #tpu.memory_space<semaphore_mem>>)
      %add3A_172 = arith.constant 3 : i32
      %add3A_173 = arith.addi %mul3A_62, %add3A_172 : i32
      %add3A_174 = arith.constant 2 : i32
      %add3A_175 = arith.addi %add3A_173, %add3A_174 : i32
      %ge3A_176 = arith.constant 4 : i32
      %ge3A_177 = arith.cmpi sge, %add3A_175, %ge3A_176 : i32
      %lt3A_178 = arith.constant 32 : i32
      %lt3A_179 = arith.cmpi slt, %add3A_175, %lt3A_178 : i32
      %and3A_180 = arith.andi %ge3A_177, %lt3A_179 : i1
      %convert_element_type3A_181 = arith.extui %and3A_180 : i1 to i32
      %cond3A_182 = arith.constant 0 : i32
      %cond3A_183 = arith.cmpi ne, %convert_element_type3A_181, %cond3A_182 : i32
      scf.if %cond3A_183 {
        %sub3A = arith.constant 4 : i32
        %sub3A_210 = arith.subi %add3A_175, %sub3A : i32
        %add3A_211 = arith.addi %multiple_of3A, %sub3A_210 : i32
        %dma_wait3A_212 = arith.constant 0 : i32
        %dma_wait3A_213 = arith.constant 0 : i32
        %dma_wait3A_214 = tpu.memref_slice %arg5[%add3A_211, %dma_wait3A_212, %dma_wait3A_213] : memref<1024x80x256xf32, #tpu.memory_space<hbm>> -> memref<1x80x256xf32, #tpu.memory_space<hbm>>
        %dma_wait3A_215 = tpu.memref_squeeze %dma_wait3A_214 : memref<1x80x256xf32, #tpu.memory_space<hbm>> -> memref<80x256xf32, #tpu.memory_space<hbm>>
        %dma_wait3A_216 = arith.constant 0 : i32
        %dma_wait3A_217 = arith.constant 0 : i32
        %dma_wait3A_218 = tpu.memref_slice %arg5[%add3A_211, %dma_wait3A_216, %dma_wait3A_217] : memref<1024x80x256xf32, #tpu.memory_space<hbm>> -> memref<1x80x256xf32, #tpu.memory_space<hbm>>
        %dma_wait3A_219 = tpu.memref_squeeze %dma_wait3A_218 : memref<1x80x256xf32, #tpu.memory_space<hbm>> -> memref<80x256xf32, #tpu.memory_space<hbm>>
        tpu.wait_dma2 semaphore(%arg17 : memref<!tpu.dma_semaphore, #tpu.memory_space<semaphore_mem>>) src(%arg9 : memref<80x256xf32, #tpu.memory_space<vmem>>) dst(%dma_wait3A_219 : memref<80x256xf32, #tpu.memory_space<hbm>>)
      } else {
      }
      %lt3A_184 = arith.constant 32 : i32
      %lt3A_185 = arith.cmpi slt, %add3A_175, %lt3A_184 : i32
      %convert_element_type3A_186 = arith.extui %lt3A_185 : i1 to i32
      %cond3A_187 = arith.constant 0 : i32
      %cond3A_188 = arith.cmpi ne, %convert_element_type3A_186, %cond3A_187 : i32
      scf.if %cond3A_188 {
        %dma_start3A_210 = arith.constant 0 : i32
        %dma_start3A_211 = tpu.memref_slice %arg6[%add3A_175, %dma_start3A_210] : memref<32x80xi32, #tpu.memory_space<vmem>> -> memref<1x80xi32, #tpu.memory_space<vmem>>
        %dma_start3A_212 = tpu.memref_squeeze %dma_start3A_211 : memref<1x80xi32, #tpu.memory_space<vmem>> -> memref<80xi32, #tpu.memory_space<vmem>>
        %dma_start3A_213 = arith.constant 0 : i32
        %dma_start3A_214 = arith.constant 0 : i32
        %dma_start3A_215 = tpu.memref_slice %arg3[%dma_start3A_213, %dma_start3A_214] : memref<50257x256xf32, #tpu.memory_space<hbm>> -> memref<50257x256xf32, #tpu.memory_space<hbm>>
        tpu.enqueue_indirect_dma source(%dma_start3A_215 : memref<50257x256xf32, #tpu.memory_space<hbm>>) target(%arg9 : memref<80x256xf32, #tpu.memory_space<vmem>>) offsets(%dma_start3A_212 : memref<80xi32, #tpu.memory_space<vmem>>) semaphore(%arg13 : memref<!tpu.dma_semaphore, #tpu.memory_space<semaphore_mem>>)
      } else {
      }
      %dma_wait3A_189 = arith.constant 0 : i32
      %dma_wait3A_190 = tpu.memref_slice %arg6[%add3A_173, %dma_wait3A_189] : memref<32x80xi32, #tpu.memory_space<vmem>> -> memref<1x80xi32, #tpu.memory_space<vmem>>
      %dma_wait3A_191 = tpu.memref_squeeze %dma_wait3A_190 : memref<1x80xi32, #tpu.memory_space<vmem>> -> memref<80xi32, #tpu.memory_space<vmem>>
      %dma_wait3A_192 = arith.constant 0 : i32
      %dma_wait3A_193 = arith.constant 0 : i32
      %dma_wait3A_194 = tpu.memref_slice %arg3[%dma_wait3A_192, %dma_wait3A_193] : memref<50257x256xf32, #tpu.memory_space<hbm>> -> memref<50257x256xf32, #tpu.memory_space<hbm>>
      tpu.wait_indirect_dma semaphore(%arg15 : memref<!tpu.dma_semaphore, #tpu.memory_space<semaphore_mem>>) src(%dma_wait3A_194 : memref<50257x256xf32, #tpu.memory_space<hbm>>) dst(%arg11 : memref<80x256xf32, #tpu.memory_space<vmem>>)
      %scan3A_195 = arith.constant 0 : i32
      %scan3A_196 = arith.constant 0 : i32
      %scan3A_197 = arith.constant 80 : i32
      %scan3A_198 = arith.addi %scan3A_196, %scan3A_197 : i32
      %scan3A_199 = arith.constant 1 : i32
      scf.for %scan3A_210 = %scan3A_196 to %scan3A_198 step %scan3A_199  : i32 {
        %get3A = arith.index_cast %scan3A_210 : i32 to index
        %get3A_211 = arith.constant 0 : index
        %get3A_212 = tpu.vector_load %arg11[%get3A, %get3A_211] {strides = array<i32>} : memref<80x256xf32, #tpu.memory_space<vmem>>, vector<1x16xf32>,
        %get3A_213 = vector.shape_cast %get3A_212 : vector<1x16xf32> to vector<16xf32>
        %get3A_214 = arith.index_cast %scan3A_210 : i32 to index
        %get3A_215 = arith.constant 0 : index
        %get3A_216 = tpu.vector_load %arg7[%get3A_214, %get3A_215] {strides = array<i32>} : memref<80x256xf32, #tpu.memory_space<vmem>>, vector<1x16xf32>,
        %get3A_217 = vector.shape_cast %get3A_216 : vector<1x16xf32> to vector<16xf32>
        %add3A_218 = arith.addf %get3A_213, %get3A_217 : vector<16xf32>
        %swap3A = arith.index_cast %scan3A_210 : i32 to index
        %swap3A_219 = arith.constant 0 : index
        %swap3A_220 = tpu.vector_load %arg11[%swap3A, %swap3A_219] {strides = array<i32>} : memref<80x256xf32, #tpu.memory_space<vmem>>, vector<1x16xf32>,
        %swap3A_221 = vector.shape_cast %swap3A_220 : vector<1x16xf32> to vector<16xf32>
        %swap3A_222 = vector.shape_cast %add3A_218 : vector<16xf32> to vector<1x16xf32>
        tpu.vector_store %arg11[%swap3A, %swap3A_219], %swap3A_222 {strides = array<i32>} : memref<80x256xf32, #tpu.memory_space<vmem>>, vector<1x16xf32>,
        %get3A_223 = arith.index_cast %scan3A_210 : i32 to index
        %get3A_224 = arith.constant 16 : index
        %get3A_225 = tpu.vector_load %arg11[%get3A_223, %get3A_224] {strides = array<i32>} : memref<80x256xf32, #tpu.memory_space<vmem>>, vector<1x16xf32>,
        %get3A_226 = vector.shape_cast %get3A_225 : vector<1x16xf32> to vector<16xf32>
        %get3A_227 = arith.index_cast %scan3A_210 : i32 to index
        %get3A_228 = arith.constant 16 : index
        %get3A_229 = tpu.vector_load %arg7[%get3A_227, %get3A_228] {strides = array<i32>} : memref<80x256xf32, #tpu.memory_space<vmem>>, vector<1x16xf32>,
        %get3A_230 = vector.shape_cast %get3A_229 : vector<1x16xf32> to vector<16xf32>
        %add3A_231 = arith.addf %get3A_226, %get3A_230 : vector<16xf32>
        %swap3A_232 = arith.index_cast %scan3A_210 : i32 to index
        %swap3A_233 = arith.constant 16 : index
        %swap3A_234 = tpu.vector_load %arg11[%swap3A_232, %swap3A_233] {strides = array<i32>} : memref<80x256xf32, #tpu.memory_space<vmem>>, vector<1x16xf32>,
        %swap3A_235 = vector.shape_cast %swap3A_234 : vector<1x16xf32> to vector<16xf32>
        %swap3A_236 = vector.shape_cast %add3A_231 : vector<16xf32> to vector<1x16xf32>
        tpu.vector_store %arg11[%swap3A_232, %swap3A_233], %swap3A_236 {strides = array<i32>} : memref<80x256xf32, #tpu.memory_space<vmem>>, vector<1x16xf32>,
        %get3A_237 = arith.index_cast %scan3A_210 : i32 to index
        %get3A_238 = arith.constant 32 : index
        %get3A_239 = tpu.vector_load %arg11[%get3A_237, %get3A_238] {strides = array<i32>} : memref<80x256xf32, #tpu.memory_space<vmem>>, vector<1x16xf32>,
        %get3A_240 = vector.shape_cast %get3A_239 : vector<1x16xf32> to vector<16xf32>
        %get3A_241 = arith.index_cast %scan3A_210 : i32 to index
        %get3A_242 = arith.constant 32 : index
        %get3A_243 = tpu.vector_load %arg7[%get3A_241, %get3A_242] {strides = array<i32>} : memref<80x256xf32, #tpu.memory_space<vmem>>, vector<1x16xf32>,
        %get3A_244 = vector.shape_cast %get3A_243 : vector<1x16xf32> to vector<16xf32>
        %add3A_245 = arith.addf %get3A_240, %get3A_244 : vector<16xf32>
        %swap3A_246 = arith.index_cast %scan3A_210 : i32 to index
        %swap3A_247 = arith.constant 32 : index
        %swap3A_248 = tpu.vector_load %arg11[%swap3A_246, %swap3A_247] {strides = array<i32>} : memref<80x256xf32, #tpu.memory_space<vmem>>, vector<1x16xf32>,
        %swap3A_249 = vector.shape_cast %swap3A_248 : vector<1x16xf32> to vector<16xf32>
        %swap3A_250 = vector.shape_cast %add3A_245 : vector<16xf32> to vector<1x16xf32>
        tpu.vector_store %arg11[%swap3A_246, %swap3A_247], %swap3A_250 {strides = array<i32>} : memref<80x256xf32, #tpu.memory_space<vmem>>, vector<1x16xf32>,
        %get3A_251 = arith.index_cast %scan3A_210 : i32 to index
        %get3A_252 = arith.constant 48 : index
        %get3A_253 = tpu.vector_load %arg11[%get3A_251, %get3A_252] {strides = array<i32>} : memref<80x256xf32, #tpu.memory_space<vmem>>, vector<1x16xf32>,
        %get3A_254 = vector.shape_cast %get3A_253 : vector<1x16xf32> to vector<16xf32>
        %get3A_255 = arith.index_cast %scan3A_210 : i32 to index
        %get3A_256 = arith.constant 48 : index
        %get3A_257 = tpu.vector_load %arg7[%get3A_255, %get3A_256] {strides = array<i32>} : memref<80x256xf32, #tpu.memory_space<vmem>>, vector<1x16xf32>,
        %get3A_258 = vector.shape_cast %get3A_257 : vector<1x16xf32> to vector<16xf32>
        %add3A_259 = arith.addf %get3A_254, %get3A_258 : vector<16xf32>
        %swap3A_260 = arith.index_cast %scan3A_210 : i32 to index
        %swap3A_261 = arith.constant 48 : index
        %swap3A_262 = tpu.vector_load %arg11[%swap3A_260, %swap3A_261] {strides = array<i32>} : memref<80x256xf32, #tpu.memory_space<vmem>>, vector<1x16xf32>,
        %swap3A_263 = vector.shape_cast %swap3A_262 : vector<1x16xf32> to vector<16xf32>
        %swap3A_264 = vector.shape_cast %add3A_259 : vector<16xf32> to vector<1x16xf32>
        tpu.vector_store %arg11[%swap3A_260, %swap3A_261], %swap3A_264 {strides = array<i32>} : memref<80x256xf32, #tpu.memory_space<vmem>>, vector<1x16xf32>,
        %get3A_265 = arith.index_cast %scan3A_210 : i32 to index
        %get3A_266 = arith.constant 64 : index
        %get3A_267 = tpu.vector_load %arg11[%get3A_265, %get3A_266] {strides = array<i32>} : memref<80x256xf32, #tpu.memory_space<vmem>>, vector<1x16xf32>,
        %get3A_268 = vector.shape_cast %get3A_267 : vector<1x16xf32> to vector<16xf32>
        %get3A_269 = arith.index_cast %scan3A_210 : i32 to index
        %get3A_270 = arith.constant 64 : index
        %get3A_271 = tpu.vector_load %arg7[%get3A_269, %get3A_270] {strides = array<i32>} : memref<80x256xf32, #tpu.memory_space<vmem>>, vector<1x16xf32>,
        %get3A_272 = vector.shape_cast %get3A_271 : vector<1x16xf32> to vector<16xf32>
        %add3A_273 = arith.addf %get3A_268, %get3A_272 : vector<16xf32>
        %swap3A_274 = arith.index_cast %scan3A_210 : i32 to index
        %swap3A_275 = arith.constant 64 : index
        %swap3A_276 = tpu.vector_load %arg11[%swap3A_274, %swap3A_275] {strides = array<i32>} : memref<80x256xf32, #tpu.memory_space<vmem>>, vector<1x16xf32>,
        %swap3A_277 = vector.shape_cast %swap3A_276 : vector<1x16xf32> to vector<16xf32>
        %swap3A_278 = vector.shape_cast %add3A_273 : vector<16xf32> to vector<1x16xf32>
        tpu.vector_store %arg11[%swap3A_274, %swap3A_275], %swap3A_278 {strides = array<i32>} : memref<80x256xf32, #tpu.memory_space<vmem>>, vector<1x16xf32>,
        %get3A_279 = arith.index_cast %scan3A_210 : i32 to index
        %get3A_280 = arith.constant 80 : index
        %get3A_281 = tpu.vector_load %arg11[%get3A_279, %get3A_280] {strides = array<i32>} : memref<80x256xf32, #tpu.memory_space<vmem>>, vector<1x16xf32>,
        %get3A_282 = vector.shape_cast %get3A_281 : vector<1x16xf32> to vector<16xf32>
        %get3A_283 = arith.index_cast %scan3A_210 : i32 to index
        %get3A_284 = arith.constant 80 : index
        %get3A_285 = tpu.vector_load %arg7[%get3A_283, %get3A_284] {strides = array<i32>} : memref<80x256xf32, #tpu.memory_space<vmem>>, vector<1x16xf32>,
        %get3A_286 = vector.shape_cast %get3A_285 : vector<1x16xf32> to vector<16xf32>
        %add3A_287 = arith.addf %get3A_282, %get3A_286 : vector<16xf32>
        %swap3A_288 = arith.index_cast %scan3A_210 : i32 to index
        %swap3A_289 = arith.constant 80 : index
        %swap3A_290 = tpu.vector_load %arg11[%swap3A_288, %swap3A_289] {strides = array<i32>} : memref<80x256xf32, #tpu.memory_space<vmem>>, vector<1x16xf32>,
        %swap3A_291 = vector.shape_cast %swap3A_290 : vector<1x16xf32> to vector<16xf32>
        %swap3A_292 = vector.shape_cast %add3A_287 : vector<16xf32> to vector<1x16xf32>
        tpu.vector_store %arg11[%swap3A_288, %swap3A_289], %swap3A_292 {strides = array<i32>} : memref<80x256xf32, #tpu.memory_space<vmem>>, vector<1x16xf32>,
        %get3A_293 = arith.index_cast %scan3A_210 : i32 to index
        %get3A_294 = arith.constant 96 : index
        %get3A_295 = tpu.vector_load %arg11[%get3A_293, %get3A_294] {strides = array<i32>} : memref<80x256xf32, #tpu.memory_space<vmem>>, vector<1x16xf32>,
        %get3A_296 = vector.shape_cast %get3A_295 : vector<1x16xf32> to vector<16xf32>
        %get3A_297 = arith.index_cast %scan3A_210 : i32 to index
        %get3A_298 = arith.constant 96 : index
        %get3A_299 = tpu.vector_load %arg7[%get3A_297, %get3A_298] {strides = array<i32>} : memref<80x256xf32, #tpu.memory_space<vmem>>, vector<1x16xf32>,
        %get3A_300 = vector.shape_cast %get3A_299 : vector<1x16xf32> to vector<16xf32>
        %add3A_301 = arith.addf %get3A_296, %get3A_300 : vector<16xf32>
        %swap3A_302 = arith.index_cast %scan3A_210 : i32 to index
        %swap3A_303 = arith.constant 96 : index
        %swap3A_304 = tpu.vector_load %arg11[%swap3A_302, %swap3A_303] {strides = array<i32>} : memref<80x256xf32, #tpu.memory_space<vmem>>, vector<1x16xf32>,
        %swap3A_305 = vector.shape_cast %swap3A_304 : vector<1x16xf32> to vector<16xf32>
        %swap3A_306 = vector.shape_cast %add3A_301 : vector<16xf32> to vector<1x16xf32>
        tpu.vector_store %arg11[%swap3A_302, %swap3A_303], %swap3A_306 {strides = array<i32>} : memref<80x256xf32, #tpu.memory_space<vmem>>, vector<1x16xf32>,
        %get3A_307 = arith.index_cast %scan3A_210 : i32 to index
        %get3A_308 = arith.constant 112 : index
        %get3A_309 = tpu.vector_load %arg11[%get3A_307, %get3A_308] {strides = array<i32>} : memref<80x256xf32, #tpu.memory_space<vmem>>, vector<1x16xf32>,
        %get3A_310 = vector.shape_cast %get3A_309 : vector<1x16xf32> to vector<16xf32>
        %get3A_311 = arith.index_cast %scan3A_210 : i32 to index
        %get3A_312 = arith.constant 112 : index
        %get3A_313 = tpu.vector_load %arg7[%get3A_311, %get3A_312] {strides = array<i32>} : memref<80x256xf32, #tpu.memory_space<vmem>>, vector<1x16xf32>,
        %get3A_314 = vector.shape_cast %get3A_313 : vector<1x16xf32> to vector<16xf32>
        %add3A_315 = arith.addf %get3A_310, %get3A_314 : vector<16xf32>
        %swap3A_316 = arith.index_cast %scan3A_210 : i32 to index
        %swap3A_317 = arith.constant 112 : index
        %swap3A_318 = tpu.vector_load %arg11[%swap3A_316, %swap3A_317] {strides = array<i32>} : memref<80x256xf32, #tpu.memory_space<vmem>>, vector<1x16xf32>,
        %swap3A_319 = vector.shape_cast %swap3A_318 : vector<1x16xf32> to vector<16xf32>
        %swap3A_320 = vector.shape_cast %add3A_315 : vector<16xf32> to vector<1x16xf32>
        tpu.vector_store %arg11[%swap3A_316, %swap3A_317], %swap3A_320 {strides = array<i32>} : memref<80x256xf32, #tpu.memory_space<vmem>>, vector<1x16xf32>,
        %get3A_321 = arith.index_cast %scan3A_210 : i32 to index
        %get3A_322 = arith.constant 128 : index
        %get3A_323 = tpu.vector_load %arg11[%get3A_321, %get3A_322] {strides = array<i32>} : memref<80x256xf32, #tpu.memory_space<vmem>>, vector<1x16xf32>,
        %get3A_324 = vector.shape_cast %get3A_323 : vector<1x16xf32> to vector<16xf32>
        %get3A_325 = arith.index_cast %scan3A_210 : i32 to index
        %get3A_326 = arith.constant 128 : index
        %get3A_327 = tpu.vector_load %arg7[%get3A_325, %get3A_326] {strides = array<i32>} : memref<80x256xf32, #tpu.memory_space<vmem>>, vector<1x16xf32>,
        %get3A_328 = vector.shape_cast %get3A_327 : vector<1x16xf32> to vector<16xf32>
        %add3A_329 = arith.addf %get3A_324, %get3A_328 : vector<16xf32>
        %swap3A_330 = arith.index_cast %scan3A_210 : i32 to index
        %swap3A_331 = arith.constant 128 : index
        %swap3A_332 = tpu.vector_load %arg11[%swap3A_330, %swap3A_331] {strides = array<i32>} : memref<80x256xf32, #tpu.memory_space<vmem>>, vector<1x16xf32>,
        %swap3A_333 = vector.shape_cast %swap3A_332 : vector<1x16xf32> to vector<16xf32>
        %swap3A_334 = vector.shape_cast %add3A_329 : vector<16xf32> to vector<1x16xf32>
        tpu.vector_store %arg11[%swap3A_330, %swap3A_331], %swap3A_334 {strides = array<i32>} : memref<80x256xf32, #tpu.memory_space<vmem>>, vector<1x16xf32>,
        %get3A_335 = arith.index_cast %scan3A_210 : i32 to index
        %get3A_336 = arith.constant 144 : index
        %get3A_337 = tpu.vector_load %arg11[%get3A_335, %get3A_336] {strides = array<i32>} : memref<80x256xf32, #tpu.memory_space<vmem>>, vector<1x16xf32>,
        %get3A_338 = vector.shape_cast %get3A_337 : vector<1x16xf32> to vector<16xf32>
        %get3A_339 = arith.index_cast %scan3A_210 : i32 to index
        %get3A_340 = arith.constant 144 : index
        %get3A_341 = tpu.vector_load %arg7[%get3A_339, %get3A_340] {strides = array<i32>} : memref<80x256xf32, #tpu.memory_space<vmem>>, vector<1x16xf32>,
        %get3A_342 = vector.shape_cast %get3A_341 : vector<1x16xf32> to vector<16xf32>
        %add3A_343 = arith.addf %get3A_338, %get3A_342 : vector<16xf32>
        %swap3A_344 = arith.index_cast %scan3A_210 : i32 to index
        %swap3A_345 = arith.constant 144 : index
        %swap3A_346 = tpu.vector_load %arg11[%swap3A_344, %swap3A_345] {strides = array<i32>} : memref<80x256xf32, #tpu.memory_space<vmem>>, vector<1x16xf32>,
        %swap3A_347 = vector.shape_cast %swap3A_346 : vector<1x16xf32> to vector<16xf32>
        %swap3A_348 = vector.shape_cast %add3A_343 : vector<16xf32> to vector<1x16xf32>
        tpu.vector_store %arg11[%swap3A_344, %swap3A_345], %swap3A_348 {strides = array<i32>} : memref<80x256xf32, #tpu.memory_space<vmem>>, vector<1x16xf32>,
        %get3A_349 = arith.index_cast %scan3A_210 : i32 to index
        %get3A_350 = arith.constant 160 : index
        %get3A_351 = tpu.vector_load %arg11[%get3A_349, %get3A_350] {strides = array<i32>} : memref<80x256xf32, #tpu.memory_space<vmem>>, vector<1x16xf32>,
        %get3A_352 = vector.shape_cast %get3A_351 : vector<1x16xf32> to vector<16xf32>
        %get3A_353 = arith.index_cast %scan3A_210 : i32 to index
        %get3A_354 = arith.constant 160 : index
        %get3A_355 = tpu.vector_load %arg7[%get3A_353, %get3A_354] {strides = array<i32>} : memref<80x256xf32, #tpu.memory_space<vmem>>, vector<1x16xf32>,
        %get3A_356 = vector.shape_cast %get3A_355 : vector<1x16xf32> to vector<16xf32>
        %add3A_357 = arith.addf %get3A_352, %get3A_356 : vector<16xf32>
        %swap3A_358 = arith.index_cast %scan3A_210 : i32 to index
        %swap3A_359 = arith.constant 160 : index
        %swap3A_360 = tpu.vector_load %arg11[%swap3A_358, %swap3A_359] {strides = array<i32>} : memref<80x256xf32, #tpu.memory_space<vmem>>, vector<1x16xf32>,
        %swap3A_361 = vector.shape_cast %swap3A_360 : vector<1x16xf32> to vector<16xf32>
        %swap3A_362 = vector.shape_cast %add3A_357 : vector<16xf32> to vector<1x16xf32>
        tpu.vector_store %arg11[%swap3A_358, %swap3A_359], %swap3A_362 {strides = array<i32>} : memref<80x256xf32, #tpu.memory_space<vmem>>, vector<1x16xf32>,
        %get3A_363 = arith.index_cast %scan3A_210 : i32 to index
        %get3A_364 = arith.constant 176 : index
        %get3A_365 = tpu.vector_load %arg11[%get3A_363, %get3A_364] {strides = array<i32>} : memref<80x256xf32, #tpu.memory_space<vmem>>, vector<1x16xf32>,
        %get3A_366 = vector.shape_cast %get3A_365 : vector<1x16xf32> to vector<16xf32>
        %get3A_367 = arith.index_cast %scan3A_210 : i32 to index
        %get3A_368 = arith.constant 176 : index
        %get3A_369 = tpu.vector_load %arg7[%get3A_367, %get3A_368] {strides = array<i32>} : memref<80x256xf32, #tpu.memory_space<vmem>>, vector<1x16xf32>,
        %get3A_370 = vector.shape_cast %get3A_369 : vector<1x16xf32> to vector<16xf32>
        %add3A_371 = arith.addf %get3A_366, %get3A_370 : vector<16xf32>
        %swap3A_372 = arith.index_cast %scan3A_210 : i32 to index
        %swap3A_373 = arith.constant 176 : index
        %swap3A_374 = tpu.vector_load %arg11[%swap3A_372, %swap3A_373] {strides = array<i32>} : memref<80x256xf32, #tpu.memory_space<vmem>>, vector<1x16xf32>,
        %swap3A_375 = vector.shape_cast %swap3A_374 : vector<1x16xf32> to vector<16xf32>
        %swap3A_376 = vector.shape_cast %add3A_371 : vector<16xf32> to vector<1x16xf32>
        tpu.vector_store %arg11[%swap3A_372, %swap3A_373], %swap3A_376 {strides = array<i32>} : memref<80x256xf32, #tpu.memory_space<vmem>>, vector<1x16xf32>,
        %get3A_377 = arith.index_cast %scan3A_210 : i32 to index
        %get3A_378 = arith.constant 192 : index
        %get3A_379 = tpu.vector_load %arg11[%get3A_377, %get3A_378] {strides = array<i32>} : memref<80x256xf32, #tpu.memory_space<vmem>>, vector<1x16xf32>,
        %get3A_380 = vector.shape_cast %get3A_379 : vector<1x16xf32> to vector<16xf32>
        %get3A_381 = arith.index_cast %scan3A_210 : i32 to index
        %get3A_382 = arith.constant 192 : index
        %get3A_383 = tpu.vector_load %arg7[%get3A_381, %get3A_382] {strides = array<i32>} : memref<80x256xf32, #tpu.memory_space<vmem>>, vector<1x16xf32>,
        %get3A_384 = vector.shape_cast %get3A_383 : vector<1x16xf32> to vector<16xf32>
        %add3A_385 = arith.addf %get3A_380, %get3A_384 : vector<16xf32>
        %swap3A_386 = arith.index_cast %scan3A_210 : i32 to index
        %swap3A_387 = arith.constant 192 : index
        %swap3A_388 = tpu.vector_load %arg11[%swap3A_386, %swap3A_387] {strides = array<i32>} : memref<80x256xf32, #tpu.memory_space<vmem>>, vector<1x16xf32>,
        %swap3A_389 = vector.shape_cast %swap3A_388 : vector<1x16xf32> to vector<16xf32>
        %swap3A_390 = vector.shape_cast %add3A_385 : vector<16xf32> to vector<1x16xf32>
        tpu.vector_store %arg11[%swap3A_386, %swap3A_387], %swap3A_390 {strides = array<i32>} : memref<80x256xf32, #tpu.memory_space<vmem>>, vector<1x16xf32>,
        %get3A_391 = arith.index_cast %scan3A_210 : i32 to index
        %get3A_392 = arith.constant 208 : index
        %get3A_393 = tpu.vector_load %arg11[%get3A_391, %get3A_392] {strides = array<i32>} : memref<80x256xf32, #tpu.memory_space<vmem>>, vector<1x16xf32>,
        %get3A_394 = vector.shape_cast %get3A_393 : vector<1x16xf32> to vector<16xf32>
        %get3A_395 = arith.index_cast %scan3A_210 : i32 to index
        %get3A_396 = arith.constant 208 : index
        %get3A_397 = tpu.vector_load %arg7[%get3A_395, %get3A_396] {strides = array<i32>} : memref<80x256xf32, #tpu.memory_space<vmem>>, vector<1x16xf32>,
        %get3A_398 = vector.shape_cast %get3A_397 : vector<1x16xf32> to vector<16xf32>
        %add3A_399 = arith.addf %get3A_394, %get3A_398 : vector<16xf32>
        %swap3A_400 = arith.index_cast %scan3A_210 : i32 to index
        %swap3A_401 = arith.constant 208 : index
        %swap3A_402 = tpu.vector_load %arg11[%swap3A_400, %swap3A_401] {strides = array<i32>} : memref<80x256xf32, #tpu.memory_space<vmem>>, vector<1x16xf32>,
        %swap3A_403 = vector.shape_cast %swap3A_402 : vector<1x16xf32> to vector<16xf32>
        %swap3A_404 = vector.shape_cast %add3A_399 : vector<16xf32> to vector<1x16xf32>
        tpu.vector_store %arg11[%swap3A_400, %swap3A_401], %swap3A_404 {strides = array<i32>} : memref<80x256xf32, #tpu.memory_space<vmem>>, vector<1x16xf32>,
        %get3A_405 = arith.index_cast %scan3A_210 : i32 to index
        %get3A_406 = arith.constant 224 : index
        %get3A_407 = tpu.vector_load %arg11[%get3A_405, %get3A_406] {strides = array<i32>} : memref<80x256xf32, #tpu.memory_space<vmem>>, vector<1x16xf32>,
        %get3A_408 = vector.shape_cast %get3A_407 : vector<1x16xf32> to vector<16xf32>
        %get3A_409 = arith.index_cast %scan3A_210 : i32 to index
        %get3A_410 = arith.constant 224 : index
        %get3A_411 = tpu.vector_load %arg7[%get3A_409, %get3A_410] {strides = array<i32>} : memref<80x256xf32, #tpu.memory_space<vmem>>, vector<1x16xf32>,
        %get3A_412 = vector.shape_cast %get3A_411 : vector<1x16xf32> to vector<16xf32>
        %add3A_413 = arith.addf %get3A_408, %get3A_412 : vector<16xf32>
        %swap3A_414 = arith.index_cast %scan3A_210 : i32 to index
        %swap3A_415 = arith.constant 224 : index
        %swap3A_416 = tpu.vector_load %arg11[%swap3A_414, %swap3A_415] {strides = array<i32>} : memref<80x256xf32, #tpu.memory_space<vmem>>, vector<1x16xf32>,
        %swap3A_417 = vector.shape_cast %swap3A_416 : vector<1x16xf32> to vector<16xf32>
        %swap3A_418 = vector.shape_cast %add3A_413 : vector<16xf32> to vector<1x16xf32>
        tpu.vector_store %arg11[%swap3A_414, %swap3A_415], %swap3A_418 {strides = array<i32>} : memref<80x256xf32, #tpu.memory_space<vmem>>, vector<1x16xf32>,
        %get3A_419 = arith.index_cast %scan3A_210 : i32 to index
        %get3A_420 = arith.constant 240 : index
        %get3A_421 = tpu.vector_load %arg11[%get3A_419, %get3A_420] {strides = array<i32>} : memref<80x256xf32, #tpu.memory_space<vmem>>, vector<1x16xf32>,
        %get3A_422 = vector.shape_cast %get3A_421 : vector<1x16xf32> to vector<16xf32>
        %get3A_423 = arith.index_cast %scan3A_210 : i32 to index
        %get3A_424 = arith.constant 240 : index
        %get3A_425 = tpu.vector_load %arg7[%get3A_423, %get3A_424] {strides = array<i32>} : memref<80x256xf32, #tpu.memory_space<vmem>>, vector<1x16xf32>,
        %get3A_426 = vector.shape_cast %get3A_425 : vector<1x16xf32> to vector<16xf32>
        %add3A_427 = arith.addf %get3A_422, %get3A_426 : vector<16xf32>
        %swap3A_428 = arith.index_cast %scan3A_210 : i32 to index
        %swap3A_429 = arith.constant 240 : index
        %swap3A_430 = tpu.vector_load %arg11[%swap3A_428, %swap3A_429] {strides = array<i32>} : memref<80x256xf32, #tpu.memory_space<vmem>>, vector<1x16xf32>,
        %swap3A_431 = vector.shape_cast %swap3A_430 : vector<1x16xf32> to vector<16xf32>
        %swap3A_432 = vector.shape_cast %add3A_427 : vector<16xf32> to vector<1x16xf32>
        tpu.vector_store %arg11[%swap3A_428, %swap3A_429], %swap3A_432 {strides = array<i32>} : memref<80x256xf32, #tpu.memory_space<vmem>>, vector<1x16xf32>,
      }
      %scan3A_200 = arith.constant 80 : i32
      %add3A_201 = arith.addi %multiple_of3A, %add3A_173 : i32
      %dma_start3A_202 = arith.constant 0 : i32
      %dma_start3A_203 = arith.constant 0 : i32
      %dma_start3A_204 = tpu.memref_slice %arg5[%add3A_201, %dma_start3A_202, %dma_start3A_203] : memref<1024x80x256xf32, #tpu.memory_space<hbm>> -> memref<1x80x256xf32, #tpu.memory_space<hbm>>
      %dma_start3A_205 = tpu.memref_squeeze %dma_start3A_204 : memref<1x80x256xf32, #tpu.memory_space<hbm>> -> memref<80x256xf32, #tpu.memory_space<hbm>>
      %dma_start3A_206 = arith.constant 0 : i32
      %dma_start3A_207 = arith.constant 0 : i32
      %dma_start3A_208 = tpu.memref_slice %arg5[%add3A_201, %dma_start3A_206, %dma_start3A_207] : memref<1024x80x256xf32, #tpu.memory_space<hbm>> -> memref<1x80x256xf32, #tpu.memory_space<hbm>>
      %dma_start3A_209 = tpu.memref_squeeze %dma_start3A_208 : memref<1x80x256xf32, #tpu.memory_space<hbm>> -> memref<80x256xf32, #tpu.memory_space<hbm>>
      tpu.enqueue_dma source(%arg11 : memref<80x256xf32, #tpu.memory_space<vmem>>) target(%dma_start3A_209 : memref<80x256xf32, #tpu.memory_space<hbm>>) target_semaphore(%arg19 : memref<!tpu.dma_semaphore, #tpu.memory_space<semaphore_mem>>)
    }
    %scan3A_20 = arith.constant 8 : i32
    %add3A_21 = arith.constant 28 : i32
    %add3A_22 = arith.addi %multiple_of3A, %add3A_21 : i32
    %dma_wait3A = arith.constant 0 : i32
    %dma_wait3A_23 = arith.constant 0 : i32
    %dma_wait3A_24 = tpu.memref_slice %arg5[%add3A_22, %dma_wait3A, %dma_wait3A_23] : memref<1024x80x256xf32, #tpu.memory_space<hbm>> -> memref<1x80x256xf32, #tpu.memory_space<hbm>>
    %dma_wait3A_25 = tpu.memref_squeeze %dma_wait3A_24 : memref<1x80x256xf32, #tpu.memory_space<hbm>> -> memref<80x256xf32, #tpu.memory_space<hbm>>
    %dma_wait3A_26 = arith.constant 0 : i32
    %dma_wait3A_27 = arith.constant 0 : i32
    %dma_wait3A_28 = tpu.memref_slice %arg5[%add3A_22, %dma_wait3A_26, %dma_wait3A_27] : memref<1024x80x256xf32, #tpu.memory_space<hbm>> -> memref<1x80x256xf32, #tpu.memory_space<hbm>>
    %dma_wait3A_29 = tpu.memref_squeeze %dma_wait3A_28 : memref<1x80x256xf32, #tpu.memory_space<hbm>> -> memref<80x256xf32, #tpu.memory_space<hbm>>
    tpu.wait_dma2 semaphore(%arg16 : memref<!tpu.dma_semaphore, #tpu.memory_space<semaphore_mem>>) src(%arg8 : memref<80x256xf32, #tpu.memory_space<vmem>>) dst(%dma_wait3A_29 : memref<80x256xf32, #tpu.memory_space<hbm>>)
    %add3A_30 = arith.constant 29 : i32
    %add3A_31 = arith.addi %multiple_of3A, %add3A_30 : i32
    %dma_wait3A_32 = arith.constant 0 : i32
    %dma_wait3A_33 = arith.constant 0 : i32
    %dma_wait3A_34 = tpu.memref_slice %arg5[%add3A_31, %dma_wait3A_32, %dma_wait3A_33] : memref<1024x80x256xf32, #tpu.memory_space<hbm>> -> memref<1x80x256xf32, #tpu.memory_space<hbm>>
    %dma_wait3A_35 = tpu.memref_squeeze %dma_wait3A_34 : memref<1x80x256xf32, #tpu.memory_space<hbm>> -> memref<80x256xf32, #tpu.memory_space<hbm>>
    %dma_wait3A_36 = arith.constant 0 : i32
    %dma_wait3A_37 = arith.constant 0 : i32
    %dma_wait3A_38 = tpu.memref_slice %arg5[%add3A_31, %dma_wait3A_36, %dma_wait3A_37] : memref<1024x80x256xf32, #tpu.memory_space<hbm>> -> memref<1x80x256xf32, #tpu.memory_space<hbm>>
    %dma_wait3A_39 = tpu.memref_squeeze %dma_wait3A_38 : memref<1x80x256xf32, #tpu.memory_space<hbm>> -> memref<80x256xf32, #tpu.memory_space<hbm>>
    tpu.wait_dma2 semaphore(%arg17 : memref<!tpu.dma_semaphore, #tpu.memory_space<semaphore_mem>>) src(%arg9 : memref<80x256xf32, #tpu.memory_space<vmem>>) dst(%dma_wait3A_39 : memref<80x256xf32, #tpu.memory_space<hbm>>)
    %add3A_40 = arith.constant 30 : i32
    %add3A_41 = arith.addi %multiple_of3A, %add3A_40 : i32
    %dma_wait3A_42 = arith.constant 0 : i32
    %dma_wait3A_43 = arith.constant 0 : i32
    %dma_wait3A_44 = tpu.memref_slice %arg5[%add3A_41, %dma_wait3A_42, %dma_wait3A_43] : memref<1024x80x256xf32, #tpu.memory_space<hbm>> -> memref<1x80x256xf32, #tpu.memory_space<hbm>>
    %dma_wait3A_45 = tpu.memref_squeeze %dma_wait3A_44 : memref<1x80x256xf32, #tpu.memory_space<hbm>> -> memref<80x256xf32, #tpu.memory_space<hbm>>
    %dma_wait3A_46 = arith.constant 0 : i32
    %dma_wait3A_47 = arith.constant 0 : i32
    %dma_wait3A_48 = tpu.memref_slice %arg5[%add3A_41, %dma_wait3A_46, %dma_wait3A_47] : memref<1024x80x256xf32, #tpu.memory_space<hbm>> -> memref<1x80x256xf32, #tpu.memory_space<hbm>>
    %dma_wait3A_49 = tpu.memref_squeeze %dma_wait3A_48 : memref<1x80x256xf32, #tpu.memory_space<hbm>> -> memref<80x256xf32, #tpu.memory_space<hbm>>
    tpu.wait_dma2 semaphore(%arg18 : memref<!tpu.dma_semaphore, #tpu.memory_space<semaphore_mem>>) src(%arg10 : memref<80x256xf32, #tpu.memory_space<vmem>>) dst(%dma_wait3A_49 : memref<80x256xf32, #tpu.memory_space<hbm>>)
    %add3A_50 = arith.constant 31 : i32
    %add3A_51 = arith.addi %multiple_of3A, %add3A_50 : i32
    %dma_wait3A_52 = arith.constant 0 : i32
    %dma_wait3A_53 = arith.constant 0 : i32
    %dma_wait3A_54 = tpu.memref_slice %arg5[%add3A_51, %dma_wait3A_52, %dma_wait3A_53] : memref<1024x80x256xf32, #tpu.memory_space<hbm>> -> memref<1x80x256xf32, #tpu.memory_space<hbm>>
    %dma_wait3A_55 = tpu.memref_squeeze %dma_wait3A_54 : memref<1x80x256xf32, #tpu.memory_space<hbm>> -> memref<80x256xf32, #tpu.memory_space<hbm>>
    %dma_wait3A_56 = arith.constant 0 : i32
    %dma_wait3A_57 = arith.constant 0 : i32
    %dma_wait3A_58 = tpu.memref_slice %arg5[%add3A_51, %dma_wait3A_56, %dma_wait3A_57] : memref<1024x80x256xf32, #tpu.memory_space<hbm>> -> memref<1x80x256xf32, #tpu.memory_space<hbm>>
    %dma_wait3A_59 = tpu.memref_squeeze %dma_wait3A_58 : memref<1x80x256xf32, #tpu.memory_space<hbm>> -> memref<80x256xf32, #tpu.memory_space<hbm>>
    tpu.wait_dma2 semaphore(%arg19 : memref<!tpu.dma_semaphore, #tpu.memory_space<semaphore_mem>>) src(%arg11 : memref<80x256xf32, #tpu.memory_space<vmem>>) dst(%dma_wait3A_59 : memref<80x256xf32, #tpu.memory_space<hbm>>)
    return
  }
}

</mosaic_0001>

<sc_bundles>
// kernel: _embed.3.cloned.1.call-start
scs
__scs_entry_jumppad:
0x0: {  	(pc) =	sbr.rel $0x88, $3  }
0x1: {  	(tag) =	ssettag $0x0;
	lr =	simm.s32 $0x1  }
0x2: {  	[smem:$0x3F9E] =	sst lr;
	_ =	strace $0xD0000000  }
0x3: {  	_ = 	snop  }
0x4: {  	_ = 	snop  }
0x5: {  	_ = 	snop  }
0x6: {  	_ = 	snop  }
0x7: {  	_ = 	snop  }
__scs_overlays_trampoline_lowered:
0x8: {  	[smem:$0x3FAD] =	sst s0  }
0x9: {  	[smem:$0x3FAE] =	sst s1  }
0xa: {  	[smem:$0x3FAF] =	sst s2  }
0xb: {  	[smem:$0x3FB0] =	sst s3  }
0xc: {  	[smem:$0x3FB1] =	sst s4  }
0xd: {  	[smem:$0x3FB2] =	sst s5  }
0xe: {  	[smem:$0x3FB3] =	sst s6  }
0xf: {  	[smem:$0x3FB4] =	sst s7  }
0x10: {  	[smem:$0x3FB5] =	sst s8  }
0x11: {  	[smem:$0x3FB6] =	sst s9;
	s0 =	simm.s32 @!p0 $0x0  }
0x12: {  	s1 =	sld [smem:$0x3F9C];
	s0 =	simm.s32 @p0 $0x1  }
0x13: {  	[smem:$0x3FB7] =	sst s0;
	s0 =	simm.s32 @!p1 $0x0  }
0x14: {  	s2 =	sld [smem:$0x3F9B];
	s0 =	simm.s32 @p1 $0x1  }
0x15: {  	[smem:$0x3FB8] =	sst s0;
	s0 =	simm.s32 @!p2 $0x0  }
0x16: {  	s3 =	sld [smem:$0x3FDB];
	s0 =	simm.s32 @p2 $0x1  }
0x17: {  	s4 =	simm.s32 $0x1BF5;
	[smem:$0x3FBA] =	sst s0  }
0x18: {  	s0 =	sld [smem:$0x3F9D];
	_ =	swait.ge [sflag:s4], $0x0  }
0x19: {  	s7 =	sld [smem:$0x3F9E]  }
0x1a: {  	s8 =	sadd.s32 $0xFFFFE003, lr  }
0x1b: {  	s9 =	sadd.s32 $0xFFFFFEF7, lr;
	s5 =	simm.s32 $0xFFFFFFFF;
	p2 =	slt.u32 s8, $0xFFFFF086  }
0x1c: {  	p1 =	slt.u32 s9, $0xF7A;
	s5 =	simm.s32 @!p2 $0x0  }
0x1d: {  	s5 =	simm.s32 @p1 $0x1;
	p0 =	seq.s32 s7, s2  }
0x1e: {  	s7 =	smul.u32 @!p0 $0xF7A, s2;
	p2 =	seq.s32 @!p0 s5, $0x0  }
0x1f: {  	s9 =	smul.u32 $0xF7A, s1;
	s8 =	simm.s32 @!p0 $0x1BF5;
	p2 =	por !p2, p0  }
0x20: {  	[sflag:s8] =	ssyncset.s32 @!p0 $0xFFFFF086;
	s6 =	sadd.s32 @!p0 s3, s7;
	s7 =	simm.s32 @!p0 $0x108  }
0x21: {  	s3 =	sadd.s32 s3, s9;
	s6 =	sadd.s32 @!p0 $0x88, s6;
	s7 =	simm.s32 @p2 $0x1082  }
0x22: {  	[simem:s7], [sflag:s8] =	dma.local @!p0 [hbm:s6], $0xF7A  }
0x23: {  	s9 =	sor.u32 $0xD0000000, s2;
	s6 =	simm.s32 $0x108;
	_ =	swait.ge @!p0 [sflag:s8], $0x0  }
0x24: {  	s3 =	sadd.s32 $0x88, s3;
	s6 =	simm.s32 @!p1 $0x1082;
	[sflag:s4] =	ssyncset.s32 $0xFFFFF086  }
0x25: {  	[simem:s6], [sflag:s4] =	dma.local [hbm:s3], $0xF7A  }
0x26: {  	[smem:$0x3F9E] =	sst s1;
	(tag) =	ssettag s2;
	_ =	strace s9  }
0x27: {  	s1 =	sld [smem:$0x3FAE]  }
0x28: {  	s2 =	sld [smem:$0x3FAF]  }
0x29: {  	s4 =	sld [smem:$0x3FB1]  }
0x2a: {  	p0 =	seq.s32 s5, $0x0;
	s5 =	sld [smem:$0x3FB2]  }
0x2b: {  	s6 =	sld [smem:$0x3FB3]  }
0x2c: {  	s7 =	sld [smem:$0x3FB4]  }
0x2d: {  	s3 =	simm.s32 $0x108;
	s8 =	sld [smem:$0x3FB5]  }
0x2e: {  	s3 =	simm.s32 @!p0 $0x1082;
	s9 =	sld [smem:$0x3FB6]  }
0x2f: {  	lr =	sadd.s32 s0, s3;
	s0 =	sld [smem:$0x3FAD]  }
0x30: {  	s3 =	sld [smem:$0x3FB0]  }
0x31: {  	[smem:$0x3FB9] =	sst s10  }
0x32: {  	s10 =	sld [smem:$0x3FB7];
	_ =	sdelay $0x3  }
0x33: {  	p0 =	seq.s32 s10, $0x1;
	s10 =	sld [smem:$0x3FB9];
	_ =	sdelay $0x3  }
0x34: {  	[smem:$0x3FB9] =	sst s10  }
0x35: {  	s10 =	sld [smem:$0x3FB8];
	_ =	sdelay $0x3  }
0x36: {  	p1 =	seq.s32 s10, $0x1;
	s10 =	sld [smem:$0x3FB9];
	_ =	sdelay $0x3  }
0x37: {  	[smem:$0x3FB9] =	sst s10  }
0x38: {  	s10 =	sld [smem:$0x3FBA]  }
0x39: {  	_ = 	snop;
	(pc) =	sbr.ind lr, $3  }
0x3a: {  	_ = 	snop  }
0x3b: {  	_ = 	snop  }
0x3c: {  	p2 =	seq.s32 s10, $0x1;
	s10 =	sld [smem:$0x3FB9]  }
0x3d: {  	_ =	shalt  }
0x3e: {  	_ =	shalt  }
0x3f: {  	_ =	shalt  }
0x40: {  	_ =	shalt  }
0x41: {  	_ =	shalt  }
0x42: {  	_ =	shalt  }
0x43: {  	_ =	shalt  }
0x44: {  	_ =	shalt  }
0x45: {  	_ =	shalt  }
0x46: {  	_ =	shalt  }
0x47: {  	_ =	shalt  }
0x48: {  	_ =	shalt  }
0x49: {  	_ =	shalt  }
0x4a: {  	_ =	shalt  }
0x4b: {  	_ =	shalt  }
0x4c: {  	_ =	shalt  }
0x4d: {  	_ =	shalt  }
0x4e: {  	_ =	shalt  }
0x4f: {  	_ =	shalt  }
0x50: {  	_ =	shalt  }
0x51: {  	_ =	shalt  }
0x52: {  	_ =	shalt  }
0x53: {  	_ =	shalt  }
0x54: {  	_ =	shalt  }
0x55: {  	_ =	shalt  }
0x56: {  	_ =	shalt  }
0x57: {  	_ =	shalt  }
0x58: {  	_ =	shalt  }
0x59: {  	_ =	shalt  }
0x5a: {  	_ =	shalt  }
0x5b: {  	_ =	shalt  }
0x5c: {  	_ =	shalt  }
0x5d: {  	_ =	shalt  }
0x5e: {  	_ =	shalt  }
0x5f: {  	_ =	shalt  }
0x60: {  	_ =	shalt  }
0x61: {  	_ =	shalt  }
0x62: {  	_ =	shalt  }
0x63: {  	_ =	shalt  }
0x64: {  	_ =	shalt  }
0x65: {  	_ =	shalt  }
0x66: {  	_ =	shalt  }
0x67: {  	_ =	shalt  }
0x68: {  	_ =	shalt  }
0x69: {  	_ =	shalt  }
0x6a: {  	_ =	shalt  }
0x6b: {  	_ =	shalt  }
0x6c: {  	_ =	shalt  }
0x6d: {  	_ =	shalt  }
0x6e: {  	_ =	shalt  }
0x6f: {  	_ =	shalt  }
0x70: {  	_ =	shalt  }
0x71: {  	_ =	shalt  }
0x72: {  	_ =	shalt  }
0x73: {  	_ =	shalt  }
0x74: {  	_ =	shalt  }
0x75: {  	_ =	shalt  }
0x76: {  	_ =	shalt  }
0x77: {  	_ =	shalt  }
0x78: {  	_ =	shalt  }
0x79: {  	_ =	shalt  }
0x7a: {  	_ =	shalt  }
0x7b: {  	_ =	shalt  }
0x7c: {  	_ =	shalt  }
0x7d: {  	_ =	shalt  }
0x7e: {  	_ =	shalt  }
0x7f: {  	_ =	shalt  }
0x80: {  	_ =	shalt  }
0x81: {  	_ =	shalt  }
0x82: {  	_ =	shalt  }
0x83: {  	_ =	shalt  }
0x84: {  	_ =	shalt  }
0x85: {  	_ =	shalt  }
0x86: {  	_ =	shalt  }
0x87: {  	_ =	shalt  }
.Lfunc_end0:
.L_simem_size_0:
called_computation_lowered:
.L_overlay_start_0:
0x88: {  	s2 =	sld [smem:$0x3FD9]  }
0x89: {  	s3 =	sld [smem:$0x3FFE];
	_ =	sdelay $0x1  }
0x8a: {  	s1 =	srdreg.scid  }
0x8b: {  	s0 =	sand.u32 $0x1, s1  }
0x8c: {  	s17 =	sshll.u32 s0, $0xA;
	s2 =	sadd.s32 s3, s2  }
0x8d: {  	s2 =	sadd.s32 s2, s17  }
0x8e: {  	[smem:$0x3FC5] =	sst s2  }
0x8f: {  	_ = 	snop  }
0x90: {  	s2 =	sld [smem:$0x3FC8]  }
0x91: {  	s18 =	sld [smem:$0x3FC7]  }
0x92: {  	s4 =	sld [smem:$0x3FD0];
	(tm) =	ssettm $0x1  }
0x93: {  	s5 =	sld [smem:$0x3FFB];
	_ =	sdelay $0x3  }
0x94: {  	_ =	strace s5  }
0x95: {  	s5 =	sld [smem:$0x3FFC];
	_ =	sdelay $0x3  }
0x96: {  	_ =	strace s5  }
0x97: {  	s5 =	sld [smem:$0x3FFD];
	_ =	sdelay $0x3  }
0x98: {  	_ =	strace s5  }
0x99: {  	_ =	strace $0x8FFFFFFF  }
0x9a: {  	s19 =	sld [smem:$0x3FDB];
	_ =	sdelay $0x1  }
0x9b: {  	s6 =	simm.s32 $_scs_section_size  }
0x9c: {  	s7 =	simm.s32 $_size__tile_overlayer_lowered;
	s8 =	simm.s32 $_tile_overlayer_lowered  }
0x9d: {  	s22 =	simm.s32 $0x1BFF;
	s21 =	sshll.u32 s8, $0x1;
	s5 =	sadd.s32 s6, s19  }
0x9e: {  	s9 =	simm.s32 $0x0;
	s20 =	sshll.u32 s7, $0x1;
	s7 =	sadd.s32 s21, s5  }
0x9f: {  	[timem:s9], [sflag:s22] =	dma.local [hbm:s7], s20  }
0xa0: {  	_ =	swait.ge [sflag:s22], s20  }
0xa1: {  	s6 =	ssub.s32 $0x0, s20;
	[sflag:s22] =	ssyncset.done $0x0  }
0xa2: {  	[sflag:s22] =	ssyncadd.s32 s6;
	_ =	sdelay $0x1  }
0xa3: {  	s23 =	simm.s32 $0x1B8B  }
0xa4: {  	_ =	swait.ge [sflag:s23], $0x1  }
0xa5: {  	[sflag:s23] =	ssyncset.done $0x0  }
0xa6: {  	s25 =	simm.s32 $0x1B8E;
	s24 =	sld [smem:$0x3FFE];
	[sflag:s23] =	ssyncadd.s32 $0xFFFFFFFF  }
0xa7: {  	s26 =	simm.s32 $execute0_lowered;
	[smem:$0x3FD2] =	sst s25  }
0xa8: {  	s7 =	sshll.u32 s26, $0x1;
	_ =	strace $0x80000046;
	[dreg:$0x1] =	wrdreg $0xFFFFFFFF  }
0xa9: {  	s28 =	simm.s32 $_size_execute0_lowered;
	s5 =	sadd.s32 s5, s7;
	[dreg:$0x0] =	wrdreg $0x0  }
0xaa: {  	s7 =	sshll.u32 s28, $0x1;
	[dreg:$0x2] =	wrdreg s5  }
0xab: {  	[dreg:$0x3] =	wrdreg s7  }
0xac: {  	[dreg:$0x4] =	wrdreg $0xC0  }
0xad: {  	_ =	task [dreg:s9], $0x5FFFF  }
0xae: {  	[dreg:$0x1] =	wrdreg $0xFFFFFFFF  }
0xaf: {  	[dreg:$0x0] =	wrdreg $0x60  }
0xb0: {  	[dreg:$0x2] =	wrdreg s24  }
0xb1: {  	[dreg:$0x3] =	wrdreg s2  }
0xb2: {  	[dreg:$0x4] =	wrdreg s18  }
0xb3: {  	[dreg:$0x5] =	wrdreg s4  }
0xb4: {  	[dreg:$0x6] =	wrdreg $0x9  }
0xb5: {  	_ =	task.clear_ibuf [dreg:s9], $0x7FFFF;
	_ =	strace $0x90000046  }
0xb6: {  	s29 =	simm.s32 $0x9;
	_ =	strace $0x80000048  }
0xb7: {  	_ =	swait.ge [sflag:s29], $0x1  }
0xb8: {  	[sflag:s29] =	ssyncadd.s32 $0xFFFFFFFF  }
0xb9: {  	_ =	strace $0x90000048  }
0xba: {  	_ =	sfence  }
0xbb: {  	s30 =	sld [smem:$0x0];
	_ =	sdelay $0x2  }
0xbc: {  	s31 =	sshll.u32 s1, $0xD;
	s1 =	sshrl.u32 s1, $0x2  }
0xbd: {  	s3 =	sand.u32 $0x4000, s31;
	s1 =	sadd.s32 s1, s30  }
0xbe: {  	s0 =	sor.u32 s3, s0;
	s1 =	sshll.u32 s1, $0x11  }
0xbf: {  	s0 =	sor.u32 s1, s0  }
0xc0: {  	s0 =	sadd.s32 $0x8F2B, s0  }
0xc1: {  	[sflag:s0] =	ssyncadd.remote.s32 $0x1  }
0xc2: {  	_ =	sfence.sel $0xFFFF  }
0xc3: {  	[dreg:$0x0] =	wrdreg $0xFFFFFFFF;
	(pc) =	sbr.abs _section_cstart, $3  }
0xc4: {  	[dreg:$0x1] =	wrdreg $0xFFFFFFFF  }
0xc5: {  	_ =	task.clear_ibuf [dreg:s9], $0x2FFFF;
	_ =	strace $0x9FFFFFFF  }
0xc6: {  	(tm) =	ssettm $0x7FFFFFFF  }
0xc7: {  	_ =	shalt  }
tec
execute0_lowered:
.L_overlay_start_1:
0x0: {  	(tag) =	ssettag $0x1  }
0x1: {  	s0 =	rddreg [dreg:$0x0]  }
0x2: {  	s2 =	rddreg [dreg:$0x1]  }
0x3: {  	s1 =	srdreg.scid;
	s4 =	rddreg [dreg:$0x3]  }
0x4: {  	s3 =	stileid.u32;
	s5 =	simm.s32 $0x0;
	s11 =	simm.s32 $0x6000  }
0x5: {  	s21 =	simm.s32 $0xB000;
	s15 =	simm.s32 $0x1;
	s16 =	simm.s32 $0x15000  }
0x6: {  	s18 =	simm.s32 $0x16000;
	s19 =	simm.s32 $0x16800;
	s20 =	simm.s32 $0x17000  }
0x7: {  	s22 =	simm.s32 $0x17800;
	s23 =	simm.s32 $0x18000;
	s24 =	simm.s32 $0x18800  }
0x8: {  	s25 =	simm.s32 $0x19000;
	s28 =	simm.s32 $0x2;
	s29 =	simm.s32 $0x3  }
0x9: {  	s30 =	simm.s32 $0x4;
	s31 =	simm.s32 $0x5;
	s1 =	sand.u32 $0x1, s1  }
0xa: {  	s3 =	sshll.u32 s3, $0x6;
	s6 =	sshll.u32 s1, $0x5;
	s1 =	ssub.s32 $0x2, s1  }
0xb: {  	s8 =	simm.s32 $0x0;
	s6 =	sor.u32 s6, s3;
	s7 =	sshrl.u32 s1, $0x1  }
0xc: {  	[smem:$0x7FF] =	sst s5;
	s3 =	sshll.u32 s6, $0x4;
	s1 =	ssub.s32 s1, s7  }
0xd: {  	v2 =	vlaneseq.u32;
	_ =	strace $0x80000047;
	s0 =	sadd.s32 s3, s0;
	s26 =	smax.u32 s1, $0x1  }
0xe: {  	vm0 =	vmmov $0xffff;
	v1 =	vshrl.u32 v2, $0x3;
	s1 =	simm.s32 $0x10000;
	s0 =	sadd.s32 $0x400, s0;
	[dreg:$0x6] =	wrdreg s26  }
0xf: {  	v0 =	vand.u32 $0x7, v2;
	v2 =	vor.u32 $0x8, v2;
	v1 =	vmul.u32 $0x8, v1;
	s3 =	simm.s32 $0x6;
	s26 =	simm.s32 $0x19800;
	[dreg:$0x5] =	wrdreg s0  }
.LBB2_1:
0x10: {  	[dreg:$0x7] =	wrdreg s8  }
0x11: {  	s0 =	rddreg [dreg:$0x5];
	s12 =	simm.s32 $0xA  }
0x12: {  	[tilespmem:s5], [sflag:$0xA] =	stream.linear.gather [hbm4b:s0+s5], $0x1000, $0x38;
	[tilespmem:$0x1A000] =	vst v63  }
0x13: {  	_ =	swait.ge [sflag:s12], $0x1000  }
0x14: {  	[sflag:s12] =	ssyncset.done $0x0  }
0x15: {  	[sflag:s12] =	ssyncadd.s32 $0xFFFFF000  }
0x16: {  	s7 =	simm.s32 $0x1000;
	s0 =	rddreg [dreg:$0x2]  }
0x17: {  	[tilespmem:s7], [sflag:$0x9] =	stream.linear.gather [hbm4b:s0+s5], $0x5000, $0x38;
	[tilespmem:$0x1A000] =	vst v63  }
0x18: {  	v3 =	vld [tilespmem:$0x0];
	_ =	sdelay $0x4  }
0x19: {  	v4 =	vshll.u32 v3, $0x1  }
0x1a: {  	v3 =	vand.u32 $0x7, v3;
	v4 =	vand.u32 $0xFFFFFFF0, v4  }
0x1b: {  	v3 =	vor.u32 v3, v4  }
0x1c: {  	v4 =	vperm.xlane v3, v0;
	_ =	sdelay $0x1  }
0x1d: {  	v3 =	vperm.xlane v3, v2;
	v4 =	vadd.s32 v1, v4;
	_ =	sdelay $0x1  }
0x1e: {  	v3 =	vadd.s32 v1, v3;
	_ =	sdelay $0x2  }
0x1f: {  	[tilespmem:s11], [sflag:$0x1] =	stream.indirect_vreg.gather [hbm4b:s2+s5], $0x80, v4, vm0, $0xb8;
	[tilespmem:$0x1A000] =	vst v63  }
0x20: {  	s13 =	simm.s32 $0x6800  }
0x21: {  	[tilespmem:s13], [sflag:$0x1] =	stream.indirect_vreg.gather [hbm4b:s2+s5], $0x80, v3, vm0, $0xb8;
	[tilespmem:$0x1A000] =	vst v63  }
0x22: {  	v3 =	vld [tilespmem:$0x10];
	_ =	sdelay $0x4  }
0x23: {  	v55 =	vshll.u32 v3, $0x1  }
0x24: {  	v3 =	vand.u32 $0x7, v3;
	v4 =	vand.u32 $0xFFFFFFF0, v55  }
0x25: {  	v3 =	vor.u32 v3, v4  }
0x26: {  	v4 =	vperm.xlane v3, v0;
	_ =	sdelay $0x1  }
0x27: {  	v3 =	vperm.xlane v3, v2;
	v4 =	vadd.s32 v1, v4;
	_ =	sdelay $0x1  }
0x28: {  	v3 =	vadd.s32 v1, v3;
	_ =	sdelay $0x1  }
0x29: {  	s14 =	simm.s32 $0x7000  }
0x2a: {  	[tilespmem:s14], [sflag:$0x1] =	stream.indirect_vreg.gather [hbm4b:s2+s5], $0x80, v4, vm0, $0xb8;
	[tilespmem:$0x1A000] =	vst v63  }
0x2b: {  	s17 =	simm.s32 $0x7800  }
0x2c: {  	[tilespmem:s17], [sflag:$0x1] =	stream.indirect_vreg.gather [hbm4b:s2+s5], $0x80, v3, vm0, $0xb8;
	[tilespmem:$0x1A000] =	vst v63  }
0x2d: {  	v3 =	vld [tilespmem:$0x20];
	_ =	sdelay $0x4  }
0x2e: {  	v56 =	vshll.u32 v3, $0x1  }
0x2f: {  	v3 =	vand.u32 $0x7, v3;
	v4 =	vand.u32 $0xFFFFFFF0, v56  }
0x30: {  	v3 =	vor.u32 v3, v4  }
0x31: {  	v4 =	vperm.xlane v3, v0;
	_ =	sdelay $0x1  }
0x32: {  	v3 =	vperm.xlane v3, v2;
	v4 =	vadd.s32 v1, v4;
	_ =	sdelay $0x1  }
0x33: {  	v3 =	vadd.s32 v1, v3;
	_ =	sdelay $0x1  }
0x34: {  	s7 =	simm.s32 $0x8000  }
0x35: {  	[tilespmem:s7], [sflag:$0x1] =	stream.indirect_vreg.gather [hbm4b:s2+s5], $0x80, v4, vm0, $0xb8;
	[tilespmem:$0x1A000] =	vst v63  }
0x36: {  	s8 =	simm.s32 $0x8800  }
0x37: {  	[tilespmem:s8], [sflag:$0x1] =	stream.indirect_vreg.gather [hbm4b:s2+s5], $0x80, v3, vm0, $0xb8;
	[tilespmem:$0x1A000] =	vst v63  }
0x38: {  	v3 =	vld [tilespmem:$0x30];
	_ =	sdelay $0x4  }
0x39: {  	v57 =	vshll.u32 v3, $0x1  }
0x3a: {  	v3 =	vand.u32 $0x7, v3;
	v4 =	vand.u32 $0xFFFFFFF0, v57  }
0x3b: {  	v3 =	vor.u32 v3, v4  }
0x3c: {  	v4 =	vperm.xlane v3, v0;
	_ =	sdelay $0x1  }
0x3d: {  	v3 =	vperm.xlane v3, v2;
	v4 =	vadd.s32 v1, v4;
	_ =	sdelay $0x1  }
0x3e: {  	v3 =	vadd.s32 v1, v3;
	_ =	sdelay $0x1  }
0x3f: {  	s9 =	simm.s32 $0x9000  }
0x40: {  	[tilespmem:s9], [sflag:$0x1] =	stream.indirect_vreg.gather [hbm4b:s2+s5], $0x80, v4, vm0, $0xb8;
	[tilespmem:$0x1A000] =	vst v63  }
0x41: {  	s10 =	simm.s32 $0x9800  }
0x42: {  	[tilespmem:s10], [sflag:$0x1] =	stream.indirect_vreg.gather [hbm4b:s2+s5], $0x80, v3, vm0, $0xb8;
	[tilespmem:$0x1A000] =	vst v63  }
0x43: {  	v3 =	vld [tilespmem:$0x40];
	_ =	sdelay $0x4  }
0x44: {  	v58 =	vshll.u32 v3, $0x1  }
0x45: {  	v3 =	vand.u32 $0x7, v3;
	v4 =	vand.u32 $0xFFFFFFF0, v58  }
0x46: {  	v3 =	vor.u32 v3, v4  }
0x47: {  	v4 =	vperm.xlane v3, v0;
	_ =	sdelay $0x1  }
0x48: {  	v3 =	vperm.xlane v3, v2;
	v4 =	vadd.s32 v1, v4;
	_ =	sdelay $0x1  }
0x49: {  	v3 =	vadd.s32 v1, v3;
	_ =	sdelay $0x1  }
0x4a: {  	s12 =	simm.s32 $0xA000  }
0x4b: {  	[tilespmem:s12], [sflag:$0x1] =	stream.indirect_vreg.gather [hbm4b:s2+s5], $0x80, v4, vm0, $0xb8;
	[tilespmem:$0x1A000] =	vst v63  }
0x4c: {  	s13 =	simm.s32 $0xA800  }
0x4d: {  	[tilespmem:s13], [sflag:$0x1] =	stream.indirect_vreg.gather [hbm4b:s2+s5], $0x80, v3, vm0, $0xb8;
	[tilespmem:$0x1A000] =	vst v63  }
0x4e: {  	v3 =	vld [tilespmem:$0x80];
	_ =	sdelay $0x4  }
0x4f: {  	v59 =	vshll.u32 v3, $0x1  }
0x50: {  	v3 =	vand.u32 $0x7, v3;
	v4 =	vand.u32 $0xFFFFFFF0, v59  }
0x51: {  	v3 =	vor.u32 v3, v4  }
0x52: {  	v4 =	vperm.xlane v3, v0;
	_ =	sdelay $0x1  }
0x53: {  	v3 =	vperm.xlane v3, v2;
	v4 =	vadd.s32 v1, v4;
	_ =	sdelay $0x1  }
0x54: {  	v3 =	vadd.s32 v1, v3;
	_ =	sdelay $0x2  }
0x55: {  	[tilespmem:s21], [sflag:$0x2] =	stream.indirect_vreg.gather [hbm4b:s2+s5], $0x80, v4, vm0, $0xb8;
	[tilespmem:$0x1A000] =	vst v63  }
0x56: {  	s14 =	simm.s32 $0xB800  }
0x57: {  	[tilespmem:s14], [sflag:$0x2] =	stream.indirect_vreg.gather [hbm4b:s2+s5], $0x80, v3, vm0, $0xb8;
	[tilespmem:$0x1A000] =	vst v63  }
0x58: {  	v3 =	vld [tilespmem:$0x90];
	_ =	sdelay $0x4  }
0x59: {  	v60 =	vshll.u32 v3, $0x1  }
0x5a: {  	v3 =	vand.u32 $0x7, v3;
	v4 =	vand.u32 $0xFFFFFFF0, v60  }
0x5b: {  	v3 =	vor.u32 v3, v4  }
0x5c: {  	v4 =	vperm.xlane v3, v0;
	_ =	sdelay $0x1  }
0x5d: {  	v3 =	vperm.xlane v3, v2;
	v4 =	vadd.s32 v1, v4;
	_ =	sdelay $0x1  }
0x5e: {  	v3 =	vadd.s32 v1, v3;
	_ =	sdelay $0x1  }
0x5f: {  	s17 =	simm.s32 $0xC000  }
0x60: {  	[tilespmem:s17], [sflag:$0x2] =	stream.indirect_vreg.gather [hbm4b:s2+s5], $0x80, v4, vm0, $0xb8;
	[tilespmem:$0x1A000] =	vst v63  }
0x61: {  	s7 =	simm.s32 $0xC800  }
0x62: {  	[tilespmem:s7], [sflag:$0x2] =	stream.indirect_vreg.gather [hbm4b:s2+s5], $0x80, v3, vm0, $0xb8;
	[tilespmem:$0x1A000] =	vst v63  }
0x63: {  	v3 =	vld [tilespmem:$0xA0];
	_ =	sdelay $0x4  }
0x64: {  	v61 =	vshll.u32 v3, $0x1  }
0x65: {  	v3 =	vand.u32 $0x7, v3;
	v4 =	vand.u32 $0xFFFFFFF0, v61  }
0x66: {  	v3 =	vor.u32 v3, v4  }
0x67: {  	v4 =	vperm.xlane v3, v0;
	_ =	sdelay $0x1  }
0x68: {  	v3 =	vperm.xlane v3, v2;
	v4 =	vadd.s32 v1, v4;
	_ =	sdelay $0x1  }
0x69: {  	v3 =	vadd.s32 v1, v3;
	_ =	sdelay $0x1  }
0x6a: {  	s8 =	simm.s32 $0xD000  }
0x6b: {  	[tilespmem:s8], [sflag:$0x2] =	stream.indirect_vreg.gather [hbm4b:s2+s5], $0x80, v4, vm0, $0xb8;
	[tilespmem:$0x1A000] =	vst v63  }
0x6c: {  	s9 =	simm.s32 $0xD800  }
0x6d: {  	[tilespmem:s9], [sflag:$0x2] =	stream.indirect_vreg.gather [hbm4b:s2+s5], $0x80, v3, vm0, $0xb8;
	[tilespmem:$0x1A000] =	vst v63  }
0x6e: {  	v3 =	vld [tilespmem:$0xB0];
	_ =	sdelay $0x4  }
0x6f: {  	v62 =	vshll.u32 v3, $0x1  }
0x70: {  	v3 =	vand.u32 $0x7, v3;
	v4 =	vand.u32 $0xFFFFFFF0, v62  }
0x71: {  	v3 =	vor.u32 v3, v4  }
0x72: {  	v4 =	vperm.xlane v3, v0;
	_ =	sdelay $0x1  }
0x73: {  	v3 =	vperm.xlane v3, v2;
	v4 =	vadd.s32 v1, v4;
	_ =	sdelay $0x1  }
0x74: {  	v3 =	vadd.s32 v1, v3;
	_ =	sdelay $0x1  }
0x75: {  	s10 =	simm.s32 $0xE000  }
0x76: {  	[tilespmem:s10], [sflag:$0x2] =	stream.indirect_vreg.gather [hbm4b:s2+s5], $0x80, v4, vm0, $0xb8;
	[tilespmem:$0x1A000] =	vst v63  }
0x77: {  	s12 =	simm.s32 $0xE800  }
0x78: {  	[tilespmem:s12], [sflag:$0x2] =	stream.indirect_vreg.gather [hbm4b:s2+s5], $0x80, v3, vm0, $0xb8;
	[tilespmem:$0x1A000] =	vst v63  }
0x79: {  	v3 =	vld [tilespmem:$0xC0];
	_ =	sdelay $0x4  }
0x7a: {  	v63 =	vshll.u32 v3, $0x1  }
0x7b: {  	v3 =	vand.u32 $0x7, v3;
	v4 =	vand.u32 $0xFFFFFFF0, v63  }
0x7c: {  	v3 =	vor.u32 v3, v4  }
0x7d: {  	v4 =	vperm.xlane v3, v0;
	_ =	sdelay $0x1  }
0x7e: {  	v3 =	vperm.xlane v3, v2;
	v4 =	vadd.s32 v1, v4;
	_ =	sdelay $0x1  }
0x7f: {  	v3 =	vadd.s32 v1, v3;
	_ =	sdelay $0x1  }
0x80: {  	s13 =	simm.s32 $0xF000  }
0x81: {  	[tilespmem:s13], [sflag:$0x2] =	stream.indirect_vreg.gather [hbm4b:s2+s5], $0x80, v4, vm0, $0xb8;
	[tilespmem:$0x1A000] =	vst v63  }
0x82: {  	s14 =	simm.s32 $0xF800;
	s17 =	simm.s32 $0x9  }
0x83: {  	[tilespmem:s14], [sflag:$0x2] =	stream.indirect_vreg.gather [hbm4b:s2+s5], $0x80, v3, vm0, $0xb8;
	[tilespmem:$0x1A000] =	vst v63  }
0x84: {  	_ =	swait.ge [sflag:s17], $0x5000  }
0x85: {  	[sflag:s17] =	ssyncset.done $0x0  }
0x86: {  	s10 =	simm.s32 $0x0;
	[sflag:s17] =	ssyncadd.s32 $0xFFFFB000  }
.LBB2_2:
0x87: {  	s9 =	sshll.u32 s10, $0x2  }
0x88: {  	s0 =	sadd.s32 $0xFFFFFFFC, s9  }
0x89: {  	p0 =	sgt.u32 s0, $0x1B  }
0x8a: {  	s0 =	simm.s32 @!p0 $0x7  }
0x8b: {  	s8 =	sor.u32 $0x2, s9;
	_ =	swait.ge @!p0 [sflag:s0], $0x5000  }
0x8c: {  	s7 =	sshll.u32 s8, $0x7;
	[sflag:s0] =	ssyncset.done @!p0 $0x0  }
0x8d: {  	[sflag:s0] =	ssyncadd.s32 @!p0 $0xFFFFB000;
	s0 =	sand.u32 $0x3FFFFF80, s7  }
0x8e: {  	v3 =	vld [tilespmem:s0+$0x0];
	_ =	sdelay $0x4  }
0x8f: {  	v4 =	vshll.u32 v3, $0x1  }
0x90: {  	v3 =	vand.u32 $0x7, v3;
	v4 =	vand.u32 $0xFFFFFFF0, v4  }
0x91: {  	v3 =	vor.u32 v3, v4  }
0x92: {  	v4 =	vperm.xlane v3, v0;
	_ =	sdelay $0x1  }
0x93: {  	v3 =	vperm.xlane v3, v2;
	v4 =	vadd.s32 v1, v4;
	_ =	sdelay $0x1  }
0x94: {  	v3 =	vadd.s32 v1, v3;
	_ =	sdelay $0x1  }
0x95: {  	s7 =	simm.s32 $0x0  }
0x96: {  	[tilespmem:s1], [sflag:$0x3] =	stream.indirect_vreg.gather [hbm4b:s2+s7], $0x80, v4, vm0, $0xb8;
	[tilespmem:$0x1A000] =	vst v63  }
0x97: {  	s12 =	simm.s32 $0x10800  }
0x98: {  	[tilespmem:s12], [sflag:$0x3] =	stream.indirect_vreg.gather [hbm4b:s2+s7], $0x80, v3, vm0, $0xb8;
	[tilespmem:$0x1A000] =	vst v63  }
0x99: {  	v3 =	vld [tilespmem:s0+$0x10];
	_ =	sdelay $0x4  }
0x9a: {  	v4 =	vshll.u32 v3, $0x1  }
0x9b: {  	v3 =	vand.u32 $0x7, v3;
	v4 =	vand.u32 $0xFFFFFFF0, v4  }
0x9c: {  	v3 =	vor.u32 v3, v4  }
0x9d: {  	v4 =	vperm.xlane v3, v0;
	_ =	sdelay $0x1  }
0x9e: {  	v3 =	vperm.xlane v3, v2;
	v4 =	vadd.s32 v1, v4;
	_ =	sdelay $0x1  }
0x9f: {  	v3 =	vadd.s32 v1, v3;
	_ =	sdelay $0x1  }
0xa0: {  	s13 =	simm.s32 $0x11000  }
0xa1: {  	[tilespmem:s13], [sflag:$0x3] =	stream.indirect_vreg.gather [hbm4b:s2+s7], $0x80, v4, vm0, $0xb8;
	[tilespmem:$0x1A000] =	vst v63  }
0xa2: {  	s14 =	simm.s32 $0x11800  }
0xa3: {  	[tilespmem:s14], [sflag:$0x3] =	stream.indirect_vreg.gather [hbm4b:s2+s7], $0x80, v3, vm0, $0xb8;
	[tilespmem:$0x1A000] =	vst v63  }
0xa4: {  	v3 =	vld [tilespmem:s0+$0x20];
	_ =	sdelay $0x4  }
0xa5: {  	v4 =	vshll.u32 v3, $0x1  }
0xa6: {  	v3 =	vand.u32 $0x7, v3;
	v4 =	vand.u32 $0xFFFFFFF0, v4  }
0xa7: {  	v3 =	vor.u32 v3, v4  }
0xa8: {  	v4 =	vperm.xlane v3, v0;
	_ =	sdelay $0x1  }
0xa9: {  	v3 =	vperm.xlane v3, v2;
	v4 =	vadd.s32 v1, v4;
	_ =	sdelay $0x1  }
0xaa: {  	v3 =	vadd.s32 v1, v3;
	_ =	sdelay $0x1  }
0xab: {  	s17 =	simm.s32 $0x12000  }
0xac: {  	[tilespmem:s17], [sflag:$0x3] =	stream.indirect_vreg.gather [hbm4b:s2+s7], $0x80, v4, vm0, $0xb8;
	[tilespmem:$0x1A000] =	vst v63  }
0xad: {  	s13 =	simm.s32 $0x12800  }
0xae: {  	[tilespmem:s13], [sflag:$0x3] =	stream.indirect_vreg.gather [hbm4b:s2+s7], $0x80, v3, vm0, $0xb8;
	[tilespmem:$0x1A000] =	vst v63  }
0xaf: {  	v3 =	vld [tilespmem:s0+$0x30];
	_ =	sdelay $0x4  }
0xb0: {  	v4 =	vshll.u32 v3, $0x1  }
0xb1: {  	v3 =	vand.u32 $0x7, v3;
	v4 =	vand.u32 $0xFFFFFFF0, v4  }
0xb2: {  	v3 =	vor.u32 v3, v4  }
0xb3: {  	v4 =	vperm.xlane v3, v0;
	_ =	sdelay $0x1  }
0xb4: {  	v3 =	vperm.xlane v3, v2;
	v4 =	vadd.s32 v1, v4;
	_ =	sdelay $0x1  }
0xb5: {  	v3 =	vadd.s32 v1, v3;
	_ =	sdelay $0x1  }
0xb6: {  	s14 =	simm.s32 $0x13000  }
0xb7: {  	[tilespmem:s14], [sflag:$0x3] =	stream.indirect_vreg.gather [hbm4b:s2+s7], $0x80, v4, vm0, $0xb8;
	[tilespmem:$0x1A000] =	vst v63  }
0xb8: {  	s17 =	simm.s32 $0x13800  }
0xb9: {  	[tilespmem:s17], [sflag:$0x3] =	stream.indirect_vreg.gather [hbm4b:s2+s7], $0x80, v3, vm0, $0xb8;
	[tilespmem:$0x1A000] =	vst v63  }
0xba: {  	v3 =	vld [tilespmem:s0+$0x40];
	_ =	sdelay $0x4  }
0xbb: {  	v4 =	vshll.u32 v3, $0x1  }
0xbc: {  	v3 =	vand.u32 $0x7, v3;
	v4 =	vand.u32 $0xFFFFFFF0, v4  }
0xbd: {  	v3 =	vor.u32 v3, v4  }
0xbe: {  	v4 =	vperm.xlane v3, v0;
	_ =	sdelay $0x1  }
0xbf: {  	v3 =	vperm.xlane v3, v2;
	v4 =	vadd.s32 v1, v4;
	_ =	sdelay $0x1  }
0xc0: {  	v3 =	vadd.s32 v1, v3;
	_ =	sdelay $0x1  }
0xc1: {  	s13 =	simm.s32 $0x14000  }
0xc2: {  	[tilespmem:s13], [sflag:$0x3] =	stream.indirect_vreg.gather [hbm4b:s2+s7], $0x80, v4, vm0, $0xb8;
	[tilespmem:$0x1A000] =	vst v63  }
0xc3: {  	s14 =	simm.s32 $0x14800  }
0xc4: {  	[tilespmem:s14], [sflag:$0x3] =	stream.indirect_vreg.gather [hbm4b:s2+s7], $0x80, v3, vm0, $0xb8;
	[tilespmem:$0x1A000] =	vst v63  }
0xc5: {  	_ =	swait.ge [sflag:s15], $0x5000  }
0xc6: {  	s17 =	sand.u32 $0x7800, s7;
	s7 =	sand.u32 $0x380, s7;
	[sflag:s15] =	ssyncset.done $0x0  }
0xc7: {  	s0 =	sor.u32 s7, s17;
	[sflag:s15] =	ssyncadd.s32 $0xFFFFB000  }
0xc8: {  	v10 =	vld [tilespmem:s0+$0x1000]  }
0xc9: {  	v11 =	vld [tilespmem:s0+$0x1010]  }
0xca: {  	v12 =	vld [tilespmem:s0+$0x1020]  }
0xcb: {  	v13 =	vld [tilespmem:s0+$0x1030]  }
0xcc: {  	v14 =	vld [tilespmem:s0+$0x1040]  }
0xcd: {  	v15 =	vld [tilespmem:s0+$0x1050]  }
0xce: {  	v16 =	vld [tilespmem:s0+$0x1060]  }
0xcf: {  	v17 =	vld [tilespmem:s0+$0x1070]  }
0xd0: {  	v18 =	vld [tilespmem:s0+$0x1400]  }
0xd1: {  	v9 =	vld [tilespmem:s0+$0x1410]  }
0xd2: {  	v8 =	vld [tilespmem:s0+$0x1420]  }
0xd3: {  	v7 =	vld [tilespmem:s0+$0x1430]  }
0xd4: {  	v6 =	vld [tilespmem:s0+$0x1440]  }
0xd5: {  	v5 =	vld [tilespmem:s0+$0x1450]  }
0xd6: {  	v4 =	vld [tilespmem:s0+$0x1460]  }
0xd7: {  	v3 =	vld [tilespmem:s0+$0x1470]  }
0xd8: {  	v19 =	vld [tilespmem:s0+$0x6000]  }
0xd9: {  	v20 =	vld [tilespmem:s0+$0x6010]  }
0xda: {  	v21 =	vld [tilespmem:s0+$0x6020]  }
0xdb: {  	v22 =	vld [tilespmem:s0+$0x6030]  }
0xdc: {  	v23 =	vld [tilespmem:s0+$0x6040]  }
0xdd: {  	v10 =	vadd.f32 v10, v19;
	v19 =	vld [tilespmem:s0+$0x6050]  }
0xde: {  	v61 =	vld [tilespmem:s0+$0x6060];
	v11 =	vadd.f32 v11, v20  }
0xdf: {  	v62 =	vld [tilespmem:s0+$0x6070];
	[tilespmem:s0+$0x6000] =	vst v10;
	v10 =	vadd.f32 v12, v21  }
0xe0: {  	v63 =	vld [tilespmem:s0+$0x6400];
	[tilespmem:s0+$0x6010] =	vst v11;
	v11 =	vadd.f32 v13, v22  }
0xe1: {  	v13 =	vld [tilespmem:s0+$0x6410];
	[tilespmem:s0+$0x6020] =	vst v10;
	v10 =	vadd.f32 v14, v23  }
0xe2: {  	v12 =	vld [tilespmem:s0+$0x6420];
	[tilespmem:s0+$0x6030] =	vst v11;
	v11 =	vadd.f32 v15, v19  }
0xe3: {  	v14 =	vadd.f32 v16, v61;
	[tilespmem:s0+$0x6040] =	vst v10;
	v10 =	vld [tilespmem:s0+$0x6430]  }
0xe4: {  	v16 =	vadd.f32 v17, v62;
	[tilespmem:s0+$0x6050] =	vst v11;
	v11 =	vld [tilespmem:s0+$0x6440]  }
0xe5: {  	s12 =	simm.s32 $0x100;
	s7 =	simm.s32 $0x80;
	v15 =	vadd.f32 v18, v63;
	[tilespmem:s0+$0x6060] =	vst v14;
	v14 =	vld [tilespmem:s0+$0x6450]  }
.LBB2_3:
0xe6: {  	s13 =	sand.u32 $0x7800, s12;
	s14 =	sand.u32 $0x380, s7;
	p0 =	sne.s32 s12, $0x4F00;
	[tilespmem:s0+$0x6070] =	vst v16;
	v9 =	vadd.f32 v9, v13;
	v13 =	vld [tilespmem:s0+$0x6460]  }
0xe7: {  	s13 =	sor.u32 s14, s13;
	[tilespmem:s0+$0x6400] =	vst v15;
	v8 =	vadd.f32 v8, v12;
	v12 =	vld [tilespmem:s0+$0x6470]  }
0xe8: {  	v15 =	vld [tilespmem:s13+$0x1000];
	[tilespmem:s0+$0x6410] =	vst v9;
	v7 =	vadd.f32 v7, v10  }
0xe9: {  	v10 =	vld [tilespmem:s13+$0x1010];
	[tilespmem:s0+$0x6420] =	vst v8;
	v6 =	vadd.f32 v6, v11  }
0xea: {  	v11 =	vld [tilespmem:s13+$0x1020];
	[tilespmem:s0+$0x6430] =	vst v7;
	v5 =	vadd.f32 v5, v14  }
0xeb: {  	v14 =	vld [tilespmem:s13+$0x1030];
	[tilespmem:s0+$0x6440] =	vst v6;
	v4 =	vadd.f32 v4, v13  }
0xec: {  	v13 =	vld [tilespmem:s13+$0x1040];
	[tilespmem:s0+$0x6450] =	vst v5;
	v3 =	vadd.f32 v3, v12  }
0xed: {  	v12 =	vld [tilespmem:s13+$0x1050];
	[tilespmem:s0+$0x6460] =	vst v4  }
0xee: {  	v16 =	vld [tilespmem:s13+$0x1060];
	[tilespmem:s0+$0x6470] =	vst v3;
	s0 =	smov.u32 s13  }
0xef: {  	v17 =	vld [tilespmem:s0+$0x1070]  }
0xf0: {  	v18 =	vld [tilespmem:s0+$0x1400]  }
0xf1: {  	v9 =	vld [tilespmem:s0+$0x1410]  }
0xf2: {  	v8 =	vld [tilespmem:s0+$0x1420]  }
0xf3: {  	v7 =	vld [tilespmem:s0+$0x1430]  }
0xf4: {  	v6 =	vld [tilespmem:s0+$0x1440]  }
0xf5: {  	v5 =	vld [tilespmem:s0+$0x1450]  }
0xf6: {  	v4 =	vld [tilespmem:s0+$0x1460]  }
0xf7: {  	v3 =	vld [tilespmem:s0+$0x1470]  }
0xf8: {  	v19 =	vld [tilespmem:s0+$0x6000]  }
0xf9: {  	v20 =	vld [tilespmem:s0+$0x6010]  }
0xfa: {  	v21 =	vld [tilespmem:s0+$0x6020]  }
0xfb: {  	v22 =	vld [tilespmem:s0+$0x6030]  }
0xfc: {  	v23 =	vld [tilespmem:s0+$0x6040]  }
0xfd: {  	v15 =	vadd.f32 v15, v19;
	v19 =	vld [tilespmem:s0+$0x6050]  }
0xfe: {  	v10 =	vadd.f32 v10, v20;
	v20 =	vld [tilespmem:s0+$0x6060]  }
0xff: {  	[tilespmem:s0+$0x6000] =	vst v15;
	v11 =	vadd.f32 v11, v21;
	v15 =	vld [tilespmem:s0+$0x6070]  }
0x100: {  	[tilespmem:s0+$0x6010] =	vst v10;
	v10 =	vadd.f32 v14, v22;
	v14 =	vld [tilespmem:s0+$0x6400]  }
.Ltmp0:
0x101: {  	[tilespmem:s0+$0x6020] =	vst v11;
	v11 =	vadd.f32 v13, v23;
	v13 =	vld [tilespmem:s0+$0x6410];
	(pc) =	sbr.rel @p0 .LBB2_3-.Ltmp0, $4  }
0x102: {  	[tilespmem:s0+$0x6030] =	vst v10;
	v19 =	vadd.f32 v12, v19;
	v12 =	vld [tilespmem:s0+$0x6420]  }
0x103: {  	[tilespmem:s0+$0x6040] =	vst v11;
	v20 =	vadd.f32 v16, v20;
	v10 =	vld [tilespmem:s0+$0x6430]  }
0x104: {  	[tilespmem:s0+$0x6050] =	vst v19;
	v16 =	vadd.f32 v17, v15;
	v11 =	vld [tilespmem:s0+$0x6440]  }
0x105: {  	s7 =	sadd.s32 $0x80, s7;
	s12 =	sadd.s32 $0x100, s12;
	[tilespmem:s0+$0x6060] =	vst v20;
	v15 =	vadd.f32 v18, v14;
	v14 =	vld [tilespmem:s0+$0x6450]  }
0x106: {  	[tilespmem:s0+$0x6070] =	vst v16;
	v9 =	vadd.f32 v9, v13;
	v13 =	vld [tilespmem:s0+$0x6460]  }
0x107: {  	[tilespmem:s0+$0x6400] =	vst v15;
	v8 =	vadd.f32 v8, v12;
	v12 =	vld [tilespmem:s0+$0x6470]  }
0x108: {  	[tilespmem:s0+$0x6410] =	vst v9;
	v7 =	vadd.f32 v7, v10  }
0x109: {  	[tilespmem:s0+$0x6420] =	vst v8;
	v6 =	vadd.f32 v6, v11  }
0x10a: {  	[tilespmem:s0+$0x6430] =	vst v7;
	v5 =	vadd.f32 v5, v14  }
0x10b: {  	s7 =	sadd.s32 s6, s9;
	[tilespmem:s0+$0x6440] =	vst v6;
	v4 =	vadd.f32 v4, v13  }
0x10c: {  	s7 =	smul.u32 $0xA00, s7;
	[tilespmem:s0+$0x6450] =	vst v5;
	v3 =	vadd.f32 v3, v12  }
0x10d: {  	p0 =	seq.s32 s10, $0x0;
	[tilespmem:s0+$0x6460] =	vst v4  }
0x10e: {  	s7 =	sadd.s32 s4, s7;
	[tilespmem:s0+$0x6470] =	vst v3;
	s0 =	simm.s32 @!p0 $0x8  }
0x10f: {  	[hbm4b:s7+s5] =	stream.linear.scatter [tilespmem:s11], [sflag:$0x5], $0x5000, $0x38;
	[tilespmem:$0x1A000] =	vst v63  }
0x110: {  	s7 =	sor.u32 $0x3, s9;
	_ =	swait.ge @!p0 [sflag:s0], $0x5000  }
0x111: {  	s12 =	sshll.u32 s7, $0x7;
	[sflag:s0] =	ssyncset.done @!p0 $0x0  }
0x112: {  	s12 =	sand.u32 $0x3FFFFF80, s12;
	[sflag:s0] =	ssyncadd.s32 @!p0 $0xFFFFB000  }
0x113: {  	v3 =	vld [tilespmem:s12+$0x0];
	_ =	sdelay $0x4  }
0x114: {  	v4 =	vshll.u32 v3, $0x1  }
0x115: {  	v3 =	vand.u32 $0x7, v3;
	v4 =	vand.u32 $0xFFFFFFF0, v4  }
0x116: {  	v3 =	vor.u32 v3, v4  }
0x117: {  	v4 =	vperm.xlane v3, v0;
	_ =	sdelay $0x1  }
0x118: {  	v3 =	vperm.xlane v3, v2;
	v4 =	vadd.s32 v1, v4;
	_ =	sdelay $0x1  }
0x119: {  	v3 =	vadd.s32 v1, v3;
	_ =	sdelay $0x1  }
0x11a: {  	s14 =	simm.s32 $0x0  }
0x11b: {  	[tilespmem:s16], [sflag:$0x4] =	stream.indirect_vreg.gather [hbm4b:s2+s14], $0x80, v4, vm0, $0xb8;
	[tilespmem:$0x1A000] =	vst v63  }
0x11c: {  	s13 =	simm.s32 $0x15800  }
0x11d: {  	[tilespmem:s13], [sflag:$0x4] =	stream.indirect_vreg.gather [hbm4b:s2+s14], $0x80, v3, vm0, $0xb8;
	[tilespmem:$0x1A000] =	vst v63  }
0x11e: {  	v3 =	vld [tilespmem:s12+$0x10];
	_ =	sdelay $0x4  }
0x11f: {  	v4 =	vshll.u32 v3, $0x1  }
0x120: {  	v3 =	vand.u32 $0x7, v3;
	v4 =	vand.u32 $0xFFFFFFF0, v4  }
0x121: {  	v3 =	vor.u32 v3, v4  }
0x122: {  	v4 =	vperm.xlane v3, v0;
	_ =	sdelay $0x1  }
0x123: {  	v3 =	vperm.xlane v3, v2;
	v4 =	vadd.s32 v1, v4;
	_ =	sdelay $0x1  }
0x124: {  	v3 =	vadd.s32 v1, v3;
	_ =	sdelay $0x2  }
0x125: {  	[tilespmem:s18], [sflag:$0x4] =	stream.indirect_vreg.gather [hbm4b:s2+s14], $0x80, v4, vm0, $0xb8;
	[tilespmem:$0x1A000] =	vst v63  }
0x126: {  	_ = 	snop  }
0x127: {  	[tilespmem:s19], [sflag:$0x4] =	stream.indirect_vreg.gather [hbm4b:s2+s14], $0x80, v3, vm0, $0xb8;
	[tilespmem:$0x1A000] =	vst v63  }
0x128: {  	v3 =	vld [tilespmem:s12+$0x20];
	_ =	sdelay $0x4  }
0x129: {  	v4 =	vshll.u32 v3, $0x1  }
0x12a: {  	v3 =	vand.u32 $0x7, v3;
	v4 =	vand.u32 $0xFFFFFFF0, v4  }
0x12b: {  	v3 =	vor.u32 v3, v4  }
0x12c: {  	v4 =	vperm.xlane v3, v0;
	_ =	sdelay $0x1  }
0x12d: {  	v3 =	vperm.xlane v3, v2;
	v4 =	vadd.s32 v1, v4;
	_ =	sdelay $0x1  }
0x12e: {  	v3 =	vadd.s32 v1, v3;
	_ =	sdelay $0x2  }
0x12f: {  	[tilespmem:s20], [sflag:$0x4] =	stream.indirect_vreg.gather [hbm4b:s2+s14], $0x80, v4, vm0, $0xb8;
	[tilespmem:$0x1A000] =	vst v63  }
0x130: {  	_ = 	snop  }
0x131: {  	[tilespmem:s22], [sflag:$0x4] =	stream.indirect_vreg.gather [hbm4b:s2+s14], $0x80, v3, vm0, $0xb8;
	[tilespmem:$0x1A000] =	vst v63  }
0x132: {  	v3 =	vld [tilespmem:s12+$0x30];
	_ =	sdelay $0x4  }
0x133: {  	v4 =	vshll.u32 v3, $0x1  }
0x134: {  	v3 =	vand.u32 $0x7, v3;
	v4 =	vand.u32 $0xFFFFFFF0, v4  }
0x135: {  	v3 =	vor.u32 v3, v4  }
0x136: {  	v4 =	vperm.xlane v3, v0;
	_ =	sdelay $0x1  }
0x137: {  	v3 =	vperm.xlane v3, v2;
	v4 =	vadd.s32 v1, v4;
	_ =	sdelay $0x1  }
0x138: {  	v3 =	vadd.s32 v1, v3;
	_ =	sdelay $0x2  }
0x139: {  	[tilespmem:s23], [sflag:$0x4] =	stream.indirect_vreg.gather [hbm4b:s2+s14], $0x80, v4, vm0, $0xb8;
	[tilespmem:$0x1A000] =	vst v63  }
0x13a: {  	_ = 	snop  }
0x13b: {  	[tilespmem:s24], [sflag:$0x4] =	stream.indirect_vreg.gather [hbm4b:s2+s14], $0x80, v3, vm0, $0xb8;
	[tilespmem:$0x1A000] =	vst v63  }
0x13c: {  	v3 =	vld [tilespmem:s12+$0x40];
	_ =	sdelay $0x4  }
0x13d: {  	v4 =	vshll.u32 v3, $0x1  }
0x13e: {  	v3 =	vand.u32 $0x7, v3;
	v4 =	vand.u32 $0xFFFFFFF0, v4  }
0x13f: {  	v3 =	vor.u32 v3, v4  }
0x140: {  	v4 =	vperm.xlane v3, v0;
	_ =	sdelay $0x1  }
0x141: {  	v3 =	vperm.xlane v3, v2;
	v4 =	vadd.s32 v1, v4;
	_ =	sdelay $0x1  }
0x142: {  	v3 =	vadd.s32 v1, v3;
	_ =	sdelay $0x2  }
0x143: {  	[tilespmem:s25], [sflag:$0x4] =	stream.indirect_vreg.gather [hbm4b:s2+s14], $0x80, v4, vm0, $0xb8;
	[tilespmem:$0x1A000] =	vst v63  }
0x144: {  	_ = 	snop  }
0x145: {  	[tilespmem:s26], [sflag:$0x4] =	stream.indirect_vreg.gather [hbm4b:s2+s14], $0x80, v3, vm0, $0xb8;
	[tilespmem:$0x1A000] =	vst v63  }
0x146: {  	_ =	swait.ge [sflag:s28], $0x5000  }
0x147: {  	s17 =	sand.u32 $0x7800, s14;
	s12 =	sand.u32 $0x380, s14;
	[sflag:s28] =	ssyncset.done $0x0  }
0x148: {  	s0 =	sor.u32 s12, s17;
	[sflag:s28] =	ssyncadd.s32 $0xFFFFB000  }
0x149: {  	v10 =	vld [tilespmem:s0+$0x1000]  }
0x14a: {  	v11 =	vld [tilespmem:s0+$0x1010]  }
0x14b: {  	v12 =	vld [tilespmem:s0+$0x1020]  }
0x14c: {  	v13 =	vld [tilespmem:s0+$0x1030]  }
0x14d: {  	v14 =	vld [tilespmem:s0+$0x1040]  }
0x14e: {  	v15 =	vld [tilespmem:s0+$0x1050]  }
0x14f: {  	v16 =	vld [tilespmem:s0+$0x1060]  }
0x150: {  	v17 =	vld [tilespmem:s0+$0x1070]  }
0x151: {  	v18 =	vld [tilespmem:s0+$0x1400]  }
0x152: {  	v9 =	vld [tilespmem:s0+$0x1410]  }
0x153: {  	v8 =	vld [tilespmem:s0+$0x1420]  }
0x154: {  	v7 =	vld [tilespmem:s0+$0x1430]  }
0x155: {  	v6 =	vld [tilespmem:s0+$0x1440]  }
0x156: {  	v5 =	vld [tilespmem:s0+$0x1450]  }
0x157: {  	v4 =	vld [tilespmem:s0+$0x1460]  }
0x158: {  	v3 =	vld [tilespmem:s0+$0x1470]  }
0x159: {  	v19 =	vld [tilespmem:s0+$0xB000]  }
0x15a: {  	v20 =	vld [tilespmem:s0+$0xB010]  }
0x15b: {  	v21 =	vld [tilespmem:s0+$0xB020]  }
0x15c: {  	v22 =	vld [tilespmem:s0+$0xB030]  }
0x15d: {  	v23 =	vld [tilespmem:s0+$0xB040]  }
0x15e: {  	v10 =	vadd.f32 v10, v19;
	v19 =	vld [tilespmem:s0+$0xB050]  }
0x15f: {  	v61 =	vld [tilespmem:s0+$0xB060];
	v11 =	vadd.f32 v11, v20  }
0x160: {  	v62 =	vld [tilespmem:s0+$0xB070];
	[tilespmem:s0+$0xB000] =	vst v10;
	v10 =	vadd.f32 v12, v21  }
0x161: {  	v63 =	vld [tilespmem:s0+$0xB400];
	[tilespmem:s0+$0xB010] =	vst v11;
	v11 =	vadd.f32 v13, v22  }
0x162: {  	v13 =	vld [tilespmem:s0+$0xB410];
	[tilespmem:s0+$0xB020] =	vst v10;
	v10 =	vadd.f32 v14, v23  }
0x163: {  	v12 =	vld [tilespmem:s0+$0xB420];
	[tilespmem:s0+$0xB030] =	vst v11;
	v11 =	vadd.f32 v15, v19  }
0x164: {  	v14 =	vadd.f32 v16, v61;
	[tilespmem:s0+$0xB040] =	vst v10;
	v10 =	vld [tilespmem:s0+$0xB430]  }
0x165: {  	v16 =	vadd.f32 v17, v62;
	[tilespmem:s0+$0xB050] =	vst v11;
	v11 =	vld [tilespmem:s0+$0xB440]  }
0x166: {  	s9 =	sor.u32 $0x1, s9;
	s13 =	simm.s32 $0x100;
	s12 =	simm.s32 $0x80;
	v15 =	vadd.f32 v18, v63;
	[tilespmem:s0+$0xB060] =	vst v14;
	v14 =	vld [tilespmem:s0+$0xB450]  }
.LBB2_5:
0x167: {  	s14 =	sand.u32 $0x7800, s13;
	s17 =	sand.u32 $0x380, s12;
	p0 =	sne.s32 s13, $0x4F00;
	[tilespmem:s0+$0xB070] =	vst v16;
	v9 =	vadd.f32 v9, v13;
	v13 =	vld [tilespmem:s0+$0xB460]  }
0x168: {  	s14 =	sor.u32 s17, s14;
	[tilespmem:s0+$0xB400] =	vst v15;
	v8 =	vadd.f32 v8, v12;
	v12 =	vld [tilespmem:s0+$0xB470]  }
0x169: {  	v15 =	vld [tilespmem:s14+$0x1000];
	[tilespmem:s0+$0xB410] =	vst v9;
	v7 =	vadd.f32 v7, v10  }
0x16a: {  	v10 =	vld [tilespmem:s14+$0x1010];
	[tilespmem:s0+$0xB420] =	vst v8;
	v6 =	vadd.f32 v6, v11  }
0x16b: {  	v11 =	vld [tilespmem:s14+$0x1020];
	[tilespmem:s0+$0xB430] =	vst v7;
	v5 =	vadd.f32 v5, v14  }
0x16c: {  	v14 =	vld [tilespmem:s14+$0x1030];
	[tilespmem:s0+$0xB440] =	vst v6;
	v4 =	vadd.f32 v4, v13  }
0x16d: {  	v13 =	vld [tilespmem:s14+$0x1040];
	[tilespmem:s0+$0xB450] =	vst v5;
	v3 =	vadd.f32 v3, v12  }
0x16e: {  	v12 =	vld [tilespmem:s14+$0x1050];
	[tilespmem:s0+$0xB460] =	vst v4  }
0x16f: {  	v16 =	vld [tilespmem:s14+$0x1060];
	[tilespmem:s0+$0xB470] =	vst v3;
	s0 =	smov.u32 s14  }
0x170: {  	v17 =	vld [tilespmem:s0+$0x1070]  }
0x171: {  	v18 =	vld [tilespmem:s0+$0x1400]  }
0x172: {  	v9 =	vld [tilespmem:s0+$0x1410]  }
0x173: {  	v8 =	vld [tilespmem:s0+$0x1420]  }
0x174: {  	v7 =	vld [tilespmem:s0+$0x1430]  }
0x175: {  	v6 =	vld [tilespmem:s0+$0x1440]  }
0x176: {  	v5 =	vld [tilespmem:s0+$0x1450]  }
0x177: {  	v4 =	vld [tilespmem:s0+$0x1460]  }
0x178: {  	v3 =	vld [tilespmem:s0+$0x1470]  }
0x179: {  	v19 =	vld [tilespmem:s0+$0xB000]  }
0x17a: {  	v20 =	vld [tilespmem:s0+$0xB010]  }
0x17b: {  	v21 =	vld [tilespmem:s0+$0xB020]  }
0x17c: {  	v22 =	vld [tilespmem:s0+$0xB030]  }
0x17d: {  	v23 =	vld [tilespmem:s0+$0xB040]  }
0x17e: {  	v15 =	vadd.f32 v15, v19;
	v19 =	vld [tilespmem:s0+$0xB050]  }
0x17f: {  	v10 =	vadd.f32 v10, v20;
	v20 =	vld [tilespmem:s0+$0xB060]  }
0x180: {  	[tilespmem:s0+$0xB000] =	vst v15;
	v11 =	vadd.f32 v11, v21;
	v15 =	vld [tilespmem:s0+$0xB070]  }
0x181: {  	[tilespmem:s0+$0xB010] =	vst v10;
	v10 =	vadd.f32 v14, v22;
	v14 =	vld [tilespmem:s0+$0xB400]  }
.Ltmp1:
0x182: {  	[tilespmem:s0+$0xB020] =	vst v11;
	v11 =	vadd.f32 v13, v23;
	v13 =	vld [tilespmem:s0+$0xB410];
	(pc) =	sbr.rel @p0 .LBB2_5-.Ltmp1, $4  }
0x183: {  	[tilespmem:s0+$0xB030] =	vst v10;
	v19 =	vadd.f32 v12, v19;
	v12 =	vld [tilespmem:s0+$0xB420]  }
0x184: {  	[tilespmem:s0+$0xB040] =	vst v11;
	v20 =	vadd.f32 v16, v20;
	v10 =	vld [tilespmem:s0+$0xB430]  }
0x185: {  	[tilespmem:s0+$0xB050] =	vst v19;
	v16 =	vadd.f32 v17, v15;
	v11 =	vld [tilespmem:s0+$0xB440]  }
0x186: {  	s12 =	sadd.s32 $0x80, s12;
	s13 =	sadd.s32 $0x100, s13;
	[tilespmem:s0+$0xB060] =	vst v20;
	v15 =	vadd.f32 v18, v14;
	v14 =	vld [tilespmem:s0+$0xB450]  }
0x187: {  	[tilespmem:s0+$0xB070] =	vst v16;
	v9 =	vadd.f32 v9, v13;
	v62 =	vld [tilespmem:s0+$0xB460]  }
0x188: {  	v63 =	vld [tilespmem:s0+$0xB470];
	[tilespmem:s0+$0xB400] =	vst v15;
	v8 =	vadd.f32 v8, v12  }
0x189: {  	[tilespmem:s0+$0xB410] =	vst v9;
	v7 =	vadd.f32 v7, v10  }
0x18a: {  	[tilespmem:s0+$0xB420] =	vst v8;
	v6 =	vadd.f32 v6, v11  }
0x18b: {  	p0 =	seq.s32 s10, $0x7;
	[tilespmem:s0+$0xB430] =	vst v7;
	v5 =	vadd.f32 v5, v14  }
.Ltmp2:
0x18c: {  	s9 =	sadd.s32 s6, s9;
	[tilespmem:s0+$0xB440] =	vst v6;
	v4 =	vadd.f32 v4, v62;
	(pc) =	sbr.rel @p0 .LBB2_8-.Ltmp2, $4  }
0x18d: {  	s9 =	smul.u32 $0xA00, s9;
	v3 =	vadd.f32 v3, v63;
	[tilespmem:s0+$0xB450] =	vst v5  }
0x18e: {  	[tilespmem:s0+$0xB460] =	vst v4  }
0x18f: {  	s17 =	sadd.s32 s4, s9;
	[tilespmem:s0+$0xB470] =	vst v3  }
0x190: {  	[hbm4b:s17+s5] =	stream.linear.scatter [tilespmem:s21], [sflag:$0x6], $0x5000, $0x38;
	[tilespmem:$0x1A000] =	vst v63  }
0x191: {  	_ =	swait.ge [sflag:s31], $0x5000  }
0x192: {  	s0 =	sshll.u32 s10, $0x9;
	[sflag:s31] =	ssyncset.done $0x0  }
0x193: {  	s0 =	sand.u32 $0x3FFFFE00, s0;
	[sflag:s31] =	ssyncadd.s32 $0xFFFFB000  }
0x194: {  	v3 =	vld [tilespmem:s0+$0x200];
	_ =	sdelay $0x4  }
0x195: {  	v4 =	vshll.u32 v3, $0x1  }
0x196: {  	v3 =	vand.u32 $0x7, v3;
	v4 =	vand.u32 $0xFFFFFFF0, v4  }
0x197: {  	v3 =	vor.u32 v3, v4  }
0x198: {  	v4 =	vperm.xlane v3, v0;
	_ =	sdelay $0x1  }
0x199: {  	v3 =	vperm.xlane v3, v2;
	v4 =	vadd.s32 v1, v4;
	_ =	sdelay $0x1  }
0x19a: {  	v3 =	vadd.s32 v1, v3;
	_ =	sdelay $0x2  }
0x19b: {  	[tilespmem:s11], [sflag:$0x1] =	stream.indirect_vreg.gather [hbm4b:s2+s5], $0x80, v4, vm0, $0xb8;
	[tilespmem:$0x1A000] =	vst v63  }
0x19c: {  	s9 =	simm.s32 $0x6800  }
0x19d: {  	[tilespmem:s9], [sflag:$0x1] =	stream.indirect_vreg.gather [hbm4b:s2+s5], $0x80, v3, vm0, $0xb8;
	[tilespmem:$0x1A000] =	vst v63  }
0x19e: {  	v3 =	vld [tilespmem:s0+$0x210];
	_ =	sdelay $0x4  }
0x19f: {  	v60 =	vshll.u32 v3, $0x1  }
0x1a0: {  	v3 =	vand.u32 $0x7, v3;
	v4 =	vand.u32 $0xFFFFFFF0, v60  }
0x1a1: {  	v3 =	vor.u32 v3, v4  }
0x1a2: {  	v4 =	vperm.xlane v3, v0;
	_ =	sdelay $0x1  }
0x1a3: {  	v3 =	vperm.xlane v3, v2;
	v4 =	vadd.s32 v1, v4;
	_ =	sdelay $0x1  }
0x1a4: {  	v3 =	vadd.s32 v1, v3;
	_ =	sdelay $0x1  }
0x1a5: {  	s12 =	simm.s32 $0x7000  }
0x1a6: {  	[tilespmem:s12], [sflag:$0x1] =	stream.indirect_vreg.gather [hbm4b:s2+s5], $0x80, v4, vm0, $0xb8;
	[tilespmem:$0x1A000] =	vst v63  }
0x1a7: {  	s13 =	simm.s32 $0x7800  }
0x1a8: {  	[tilespmem:s13], [sflag:$0x1] =	stream.indirect_vreg.gather [hbm4b:s2+s5], $0x80, v3, vm0, $0xb8;
	[tilespmem:$0x1A000] =	vst v63  }
0x1a9: {  	v3 =	vld [tilespmem:s0+$0x220];
	_ =	sdelay $0x4  }
0x1aa: {  	v61 =	vshll.u32 v3, $0x1  }
0x1ab: {  	v3 =	vand.u32 $0x7, v3;
	v4 =	vand.u32 $0xFFFFFFF0, v61  }
0x1ac: {  	v3 =	vor.u32 v3, v4  }
0x1ad: {  	v4 =	vperm.xlane v3, v0;
	_ =	sdelay $0x1  }
0x1ae: {  	v3 =	vperm.xlane v3, v2;
	v4 =	vadd.s32 v1, v4;
	_ =	sdelay $0x1  }
0x1af: {  	v3 =	vadd.s32 v1, v3;
	_ =	sdelay $0x1  }
0x1b0: {  	s14 =	simm.s32 $0x8000  }
0x1b1: {  	[tilespmem:s14], [sflag:$0x1] =	stream.indirect_vreg.gather [hbm4b:s2+s5], $0x80, v4, vm0, $0xb8;
	[tilespmem:$0x1A000] =	vst v63  }
0x1b2: {  	s17 =	simm.s32 $0x8800  }
0x1b3: {  	[tilespmem:s17], [sflag:$0x1] =	stream.indirect_vreg.gather [hbm4b:s2+s5], $0x80, v3, vm0, $0xb8;
	[tilespmem:$0x1A000] =	vst v63  }
0x1b4: {  	v3 =	vld [tilespmem:s0+$0x230];
	_ =	sdelay $0x4  }
0x1b5: {  	v62 =	vshll.u32 v3, $0x1  }
0x1b6: {  	v3 =	vand.u32 $0x7, v3;
	v4 =	vand.u32 $0xFFFFFFF0, v62  }
0x1b7: {  	v3 =	vor.u32 v3, v4  }
0x1b8: {  	v4 =	vperm.xlane v3, v0;
	_ =	sdelay $0x1  }
0x1b9: {  	v3 =	vperm.xlane v3, v2;
	v4 =	vadd.s32 v1, v4;
	_ =	sdelay $0x1  }
0x1ba: {  	v3 =	vadd.s32 v1, v3;
	_ =	sdelay $0x1  }
0x1bb: {  	s12 =	simm.s32 $0x9000  }
0x1bc: {  	[tilespmem:s12], [sflag:$0x1] =	stream.indirect_vreg.gather [hbm4b:s2+s5], $0x80, v4, vm0, $0xb8;
	[tilespmem:$0x1A000] =	vst v63  }
0x1bd: {  	s13 =	simm.s32 $0x9800  }
0x1be: {  	[tilespmem:s13], [sflag:$0x1] =	stream.indirect_vreg.gather [hbm4b:s2+s5], $0x80, v3, vm0, $0xb8;
	[tilespmem:$0x1A000] =	vst v63  }
0x1bf: {  	v3 =	vld [tilespmem:s0+$0x240];
	_ =	sdelay $0x4  }
0x1c0: {  	v63 =	vshll.u32 v3, $0x1  }
0x1c1: {  	v3 =	vand.u32 $0x7, v3;
	v4 =	vand.u32 $0xFFFFFFF0, v63  }
0x1c2: {  	v3 =	vor.u32 v3, v4  }
0x1c3: {  	v4 =	vperm.xlane v3, v0;
	_ =	sdelay $0x1  }
0x1c4: {  	v3 =	vperm.xlane v3, v2;
	v4 =	vadd.s32 v1, v4;
	_ =	sdelay $0x1  }
0x1c5: {  	v3 =	vadd.s32 v1, v3;
	_ =	sdelay $0x1  }
0x1c6: {  	s14 =	simm.s32 $0xA000  }
0x1c7: {  	[tilespmem:s14], [sflag:$0x1] =	stream.indirect_vreg.gather [hbm4b:s2+s5], $0x80, v4, vm0, $0xb8;
	[tilespmem:$0x1A000] =	vst v63  }
0x1c8: {  	s17 =	simm.s32 $0xA800  }
0x1c9: {  	[tilespmem:s17], [sflag:$0x1] =	stream.indirect_vreg.gather [hbm4b:s2+s5], $0x80, v3, vm0, $0xb8;
	[tilespmem:$0x1A000] =	vst v63  }
.LBB2_8:
0x1ca: {  	_ =	swait.ge [sflag:s29], $0x5000;
	s0 =	simm.s32 $0x0  }
0x1cb: {  	[sflag:s29] =	ssyncset.done $0x0;
	s9 =	sand.u32 $0x7800, s0;
	s0 =	sand.u32 $0x380, s0  }
0x1cc: {  	[sflag:s29] =	ssyncadd.s32 $0xFFFFB000;
	s0 =	sor.u32 s0, s9  }
0x1cd: {  	v10 =	vld [tilespmem:s0+$0x1000]  }
0x1ce: {  	v11 =	vld [tilespmem:s0+$0x1010]  }
0x1cf: {  	v12 =	vld [tilespmem:s0+$0x1020]  }
0x1d0: {  	v13 =	vld [tilespmem:s0+$0x1030]  }
0x1d1: {  	v14 =	vld [tilespmem:s0+$0x1040]  }
0x1d2: {  	v15 =	vld [tilespmem:s0+$0x1050]  }
0x1d3: {  	v16 =	vld [tilespmem:s0+$0x1060]  }
0x1d4: {  	v17 =	vld [tilespmem:s0+$0x1070]  }
0x1d5: {  	v18 =	vld [tilespmem:s0+$0x1400]  }
0x1d6: {  	v9 =	vld [tilespmem:s0+$0x1410]  }
0x1d7: {  	v8 =	vld [tilespmem:s0+$0x1420]  }
0x1d8: {  	v7 =	vld [tilespmem:s0+$0x1430]  }
0x1d9: {  	v6 =	vld [tilespmem:s0+$0x1440]  }
0x1da: {  	v5 =	vld [tilespmem:s0+$0x1450]  }
0x1db: {  	v4 =	vld [tilespmem:s0+$0x1460]  }
0x1dc: {  	v3 =	vld [tilespmem:s0+$0x1470]  }
0x1dd: {  	v19 =	vld [tilespmem:s0+$0x10000]  }
0x1de: {  	v20 =	vld [tilespmem:s0+$0x10010]  }
0x1df: {  	v21 =	vld [tilespmem:s0+$0x10020]  }
0x1e0: {  	v22 =	vld [tilespmem:s0+$0x10030]  }
0x1e1: {  	v23 =	vld [tilespmem:s0+$0x10040]  }
0x1e2: {  	v10 =	vadd.f32 v10, v19;
	v19 =	vld [tilespmem:s0+$0x10050]  }
0x1e3: {  	v61 =	vld [tilespmem:s0+$0x10060];
	v11 =	vadd.f32 v11, v20  }
0x1e4: {  	v62 =	vld [tilespmem:s0+$0x10070];
	[tilespmem:s0+$0x10000] =	vst v10;
	v10 =	vadd.f32 v12, v21  }
0x1e5: {  	v63 =	vld [tilespmem:s0+$0x10400];
	[tilespmem:s0+$0x10010] =	vst v11;
	v11 =	vadd.f32 v13, v22  }
0x1e6: {  	v13 =	vld [tilespmem:s0+$0x10410];
	[tilespmem:s0+$0x10020] =	vst v10;
	v10 =	vadd.f32 v14, v23  }
0x1e7: {  	v12 =	vld [tilespmem:s0+$0x10420];
	[tilespmem:s0+$0x10030] =	vst v11;
	v11 =	vadd.f32 v15, v19  }
0x1e8: {  	v14 =	vadd.f32 v16, v61;
	[tilespmem:s0+$0x10040] =	vst v10;
	v10 =	vld [tilespmem:s0+$0x10430]  }
0x1e9: {  	v16 =	vadd.f32 v17, v62;
	[tilespmem:s0+$0x10050] =	vst v11;
	v11 =	vld [tilespmem:s0+$0x10440]  }
0x1ea: {  	s12 =	simm.s32 $0x100;
	s9 =	simm.s32 $0x80;
	v15 =	vadd.f32 v18, v63;
	[tilespmem:s0+$0x10060] =	vst v14;
	v14 =	vld [tilespmem:s0+$0x10450]  }
.LBB2_9:
0x1eb: {  	s13 =	sand.u32 $0x7800, s12;
	s14 =	sand.u32 $0x380, s9;
	p1 =	sne.s32 s12, $0x4F00;
	[tilespmem:s0+$0x10070] =	vst v16;
	v9 =	vadd.f32 v9, v13;
	v13 =	vld [tilespmem:s0+$0x10460]  }
0x1ec: {  	s13 =	sor.u32 s14, s13;
	[tilespmem:s0+$0x10400] =	vst v15;
	v8 =	vadd.f32 v8, v12;
	v12 =	vld [tilespmem:s0+$0x10470]  }
0x1ed: {  	v15 =	vld [tilespmem:s13+$0x1000];
	[tilespmem:s0+$0x10410] =	vst v9;
	v7 =	vadd.f32 v7, v10  }
0x1ee: {  	v10 =	vld [tilespmem:s13+$0x1010];
	[tilespmem:s0+$0x10420] =	vst v8;
	v6 =	vadd.f32 v6, v11  }
0x1ef: {  	v11 =	vld [tilespmem:s13+$0x1020];
	[tilespmem:s0+$0x10430] =	vst v7;
	v5 =	vadd.f32 v5, v14  }
0x1f0: {  	v14 =	vld [tilespmem:s13+$0x1030];
	[tilespmem:s0+$0x10440] =	vst v6;
	v4 =	vadd.f32 v4, v13  }
0x1f1: {  	v13 =	vld [tilespmem:s13+$0x1040];
	[tilespmem:s0+$0x10450] =	vst v5;
	v3 =	vadd.f32 v3, v12  }
0x1f2: {  	v12 =	vld [tilespmem:s13+$0x1050];
	[tilespmem:s0+$0x10460] =	vst v4  }
0x1f3: {  	v16 =	vld [tilespmem:s13+$0x1060];
	[tilespmem:s0+$0x10470] =	vst v3;
	s0 =	smov.u32 s13  }
0x1f4: {  	v17 =	vld [tilespmem:s0+$0x1070]  }
0x1f5: {  	v18 =	vld [tilespmem:s0+$0x1400]  }
0x1f6: {  	v9 =	vld [tilespmem:s0+$0x1410]  }
0x1f7: {  	v8 =	vld [tilespmem:s0+$0x1420]  }
0x1f8: {  	v7 =	vld [tilespmem:s0+$0x1430]  }
0x1f9: {  	v6 =	vld [tilespmem:s0+$0x1440]  }
0x1fa: {  	v5 =	vld [tilespmem:s0+$0x1450]  }
0x1fb: {  	v4 =	vld [tilespmem:s0+$0x1460]  }
0x1fc: {  	v3 =	vld [tilespmem:s0+$0x1470]  }
0x1fd: {  	v19 =	vld [tilespmem:s0+$0x10000]  }
0x1fe: {  	v20 =	vld [tilespmem:s0+$0x10010]  }
0x1ff: {  	v21 =	vld [tilespmem:s0+$0x10020]  }
0x200: {  	v22 =	vld [tilespmem:s0+$0x10030]  }
0x201: {  	v23 =	vld [tilespmem:s0+$0x10040]  }
0x202: {  	v15 =	vadd.f32 v15, v19;
	v19 =	vld [tilespmem:s0+$0x10050]  }
0x203: {  	v10 =	vadd.f32 v10, v20;
	v20 =	vld [tilespmem:s0+$0x10060]  }
0x204: {  	[tilespmem:s0+$0x10000] =	vst v15;
	v11 =	vadd.f32 v11, v21;
	v15 =	vld [tilespmem:s0+$0x10070]  }
0x205: {  	[tilespmem:s0+$0x10010] =	vst v10;
	v10 =	vadd.f32 v14, v22;
	v14 =	vld [tilespmem:s0+$0x10400]  }
.Ltmp3:
0x206: {  	[tilespmem:s0+$0x10020] =	vst v11;
	v11 =	vadd.f32 v13, v23;
	v13 =	vld [tilespmem:s0+$0x10410];
	(pc) =	sbr.rel @p1 .LBB2_9-.Ltmp3, $4  }
0x207: {  	[tilespmem:s0+$0x10030] =	vst v10;
	v19 =	vadd.f32 v12, v19;
	v12 =	vld [tilespmem:s0+$0x10420]  }
0x208: {  	[tilespmem:s0+$0x10040] =	vst v11;
	v20 =	vadd.f32 v16, v20;
	v10 =	vld [tilespmem:s0+$0x10430]  }
0x209: {  	[tilespmem:s0+$0x10050] =	vst v19;
	v16 =	vadd.f32 v17, v15;
	v11 =	vld [tilespmem:s0+$0x10440]  }
0x20a: {  	s9 =	sadd.s32 $0x80, s9;
	s12 =	sadd.s32 $0x100, s12;
	[tilespmem:s0+$0x10060] =	vst v20;
	v15 =	vadd.f32 v18, v14;
	v14 =	vld [tilespmem:s0+$0x10450]  }
0x20b: {  	[tilespmem:s0+$0x10070] =	vst v16;
	v9 =	vadd.f32 v9, v13;
	v62 =	vld [tilespmem:s0+$0x10460]  }
0x20c: {  	v63 =	vld [tilespmem:s0+$0x10470];
	[tilespmem:s0+$0x10400] =	vst v15;
	v8 =	vadd.f32 v8, v12  }
0x20d: {  	[tilespmem:s0+$0x10410] =	vst v9;
	v7 =	vadd.f32 v7, v10  }
0x20e: {  	[tilespmem:s0+$0x10420] =	vst v8;
	v6 =	vadd.f32 v6, v11  }
0x20f: {  	[tilespmem:s0+$0x10430] =	vst v7;
	v5 =	vadd.f32 v5, v14  }
.Ltmp4:
0x210: {  	s8 =	sadd.s32 s6, s8;
	[tilespmem:s0+$0x10440] =	vst v6;
	v4 =	vadd.f32 v4, v62;
	(pc) =	sbr.rel @p0 .LBB2_12-.Ltmp4, $4  }
0x211: {  	s8 =	smul.u32 $0xA00, s8;
	v3 =	vadd.f32 v3, v63;
	[tilespmem:s0+$0x10450] =	vst v5  }
0x212: {  	[tilespmem:s0+$0x10460] =	vst v4  }
0x213: {  	s17 =	sadd.s32 s4, s8;
	[tilespmem:s0+$0x10470] =	vst v3  }
0x214: {  	[hbm4b:s17+s5] =	stream.linear.scatter [tilespmem:s1], [sflag:$0x7], $0x5000, $0x38;
	[tilespmem:$0x1A000] =	vst v63  }
0x215: {  	_ =	swait.ge [sflag:s3], $0x5000  }
0x216: {  	s0 =	sshll.u32 s10, $0x9;
	[sflag:s3] =	ssyncset.done $0x0  }
0x217: {  	s0 =	sand.u32 $0x3FFFFE00, s0;
	[sflag:s3] =	ssyncadd.s32 $0xFFFFB000  }
0x218: {  	v3 =	vld [tilespmem:s0+$0x280];
	_ =	sdelay $0x4  }
0x219: {  	v4 =	vshll.u32 v3, $0x1  }
0x21a: {  	v3 =	vand.u32 $0x7, v3;
	v4 =	vand.u32 $0xFFFFFFF0, v4  }
0x21b: {  	v3 =	vor.u32 v3, v4  }
0x21c: {  	v4 =	vperm.xlane v3, v0;
	_ =	sdelay $0x1  }
0x21d: {  	v3 =	vperm.xlane v3, v2;
	v4 =	vadd.s32 v1, v4;
	_ =	sdelay $0x1  }
0x21e: {  	v3 =	vadd.s32 v1, v3;
	_ =	sdelay $0x2  }
0x21f: {  	[tilespmem:s21], [sflag:$0x2] =	stream.indirect_vreg.gather [hbm4b:s2+s5], $0x80, v4, vm0, $0xb8;
	[tilespmem:$0x1A000] =	vst v63  }
0x220: {  	s8 =	simm.s32 $0xB800  }
0x221: {  	[tilespmem:s8], [sflag:$0x2] =	stream.indirect_vreg.gather [hbm4b:s2+s5], $0x80, v3, vm0, $0xb8;
	[tilespmem:$0x1A000] =	vst v63  }
0x222: {  	v3 =	vld [tilespmem:s0+$0x290];
	_ =	sdelay $0x4  }
0x223: {  	v60 =	vshll.u32 v3, $0x1  }
0x224: {  	v3 =	vand.u32 $0x7, v3;
	v4 =	vand.u32 $0xFFFFFFF0, v60  }
0x225: {  	v3 =	vor.u32 v3, v4  }
0x226: {  	v4 =	vperm.xlane v3, v0;
	_ =	sdelay $0x1  }
0x227: {  	v3 =	vperm.xlane v3, v2;
	v4 =	vadd.s32 v1, v4;
	_ =	sdelay $0x1  }
0x228: {  	v3 =	vadd.s32 v1, v3;
	_ =	sdelay $0x1  }
0x229: {  	s13 =	simm.s32 $0xC000  }
0x22a: {  	[tilespmem:s13], [sflag:$0x2] =	stream.indirect_vreg.gather [hbm4b:s2+s5], $0x80, v4, vm0, $0xb8;
	[tilespmem:$0x1A000] =	vst v63  }
0x22b: {  	s14 =	simm.s32 $0xC800  }
0x22c: {  	[tilespmem:s14], [sflag:$0x2] =	stream.indirect_vreg.gather [hbm4b:s2+s5], $0x80, v3, vm0, $0xb8;
	[tilespmem:$0x1A000] =	vst v63  }
0x22d: {  	v3 =	vld [tilespmem:s0+$0x2A0];
	_ =	sdelay $0x4  }
0x22e: {  	v61 =	vshll.u32 v3, $0x1  }
0x22f: {  	v3 =	vand.u32 $0x7, v3;
	v4 =	vand.u32 $0xFFFFFFF0, v61  }
0x230: {  	v3 =	vor.u32 v3, v4  }
0x231: {  	v4 =	vperm.xlane v3, v0;
	_ =	sdelay $0x1  }
0x232: {  	v3 =	vperm.xlane v3, v2;
	v4 =	vadd.s32 v1, v4;
	_ =	sdelay $0x1  }
0x233: {  	v3 =	vadd.s32 v1, v3;
	_ =	sdelay $0x1  }
0x234: {  	s17 =	simm.s32 $0xD000  }
0x235: {  	[tilespmem:s17], [sflag:$0x2] =	stream.indirect_vreg.gather [hbm4b:s2+s5], $0x80, v4, vm0, $0xb8;
	[tilespmem:$0x1A000] =	vst v63  }
0x236: {  	s9 =	simm.s32 $0xD800  }
0x237: {  	[tilespmem:s9], [sflag:$0x2] =	stream.indirect_vreg.gather [hbm4b:s2+s5], $0x80, v3, vm0, $0xb8;
	[tilespmem:$0x1A000] =	vst v63  }
0x238: {  	v3 =	vld [tilespmem:s0+$0x2B0];
	_ =	sdelay $0x4  }
0x239: {  	v62 =	vshll.u32 v3, $0x1  }
0x23a: {  	v3 =	vand.u32 $0x7, v3;
	v4 =	vand.u32 $0xFFFFFFF0, v62  }
0x23b: {  	v3 =	vor.u32 v3, v4  }
0x23c: {  	v4 =	vperm.xlane v3, v0;
	_ =	sdelay $0x1  }
0x23d: {  	v3 =	vperm.xlane v3, v2;
	v4 =	vadd.s32 v1, v4;
	_ =	sdelay $0x1  }
0x23e: {  	v3 =	vadd.s32 v1, v3;
	_ =	sdelay $0x1  }
0x23f: {  	s12 =	simm.s32 $0xE000  }
0x240: {  	[tilespmem:s12], [sflag:$0x2] =	stream.indirect_vreg.gather [hbm4b:s2+s5], $0x80, v4, vm0, $0xb8;
	[tilespmem:$0x1A000] =	vst v63  }
0x241: {  	s13 =	simm.s32 $0xE800  }
0x242: {  	[tilespmem:s13], [sflag:$0x2] =	stream.indirect_vreg.gather [hbm4b:s2+s5], $0x80, v3, vm0, $0xb8;
	[tilespmem:$0x1A000] =	vst v63  }
0x243: {  	v3 =	vld [tilespmem:s0+$0x2C0];
	_ =	sdelay $0x4  }
0x244: {  	v63 =	vshll.u32 v3, $0x1  }
0x245: {  	v3 =	vand.u32 $0x7, v3;
	v4 =	vand.u32 $0xFFFFFFF0, v63  }
0x246: {  	v3 =	vor.u32 v3, v4  }
0x247: {  	v4 =	vperm.xlane v3, v0;
	_ =	sdelay $0x1  }
0x248: {  	v3 =	vperm.xlane v3, v2;
	v4 =	vadd.s32 v1, v4;
	_ =	sdelay $0x1  }
0x249: {  	v3 =	vadd.s32 v1, v3;
	_ =	sdelay $0x1  }
0x24a: {  	s14 =	simm.s32 $0xF000  }
0x24b: {  	[tilespmem:s14], [sflag:$0x2] =	stream.indirect_vreg.gather [hbm4b:s2+s5], $0x80, v4, vm0, $0xb8;
	[tilespmem:$0x1A000] =	vst v63  }
0x24c: {  	s17 =	simm.s32 $0xF800  }
0x24d: {  	[tilespmem:s17], [sflag:$0x2] =	stream.indirect_vreg.gather [hbm4b:s2+s5], $0x80, v3, vm0, $0xb8;
	[tilespmem:$0x1A000] =	vst v63  }
.LBB2_12:
0x24e: {  	_ =	swait.ge [sflag:s30], $0x5000;
	s0 =	simm.s32 $0x0  }
0x24f: {  	[sflag:s30] =	ssyncset.done $0x0;
	s8 =	sand.u32 $0x7800, s0;
	s0 =	sand.u32 $0x380, s0  }
0x250: {  	[sflag:s30] =	ssyncadd.s32 $0xFFFFB000;
	s0 =	sor.u32 s0, s8  }
0x251: {  	v10 =	vld [tilespmem:s0+$0x1000]  }
0x252: {  	v11 =	vld [tilespmem:s0+$0x1010]  }
0x253: {  	v12 =	vld [tilespmem:s0+$0x1020]  }
0x254: {  	v13 =	vld [tilespmem:s0+$0x1030]  }
0x255: {  	v14 =	vld [tilespmem:s0+$0x1040]  }
0x256: {  	v15 =	vld [tilespmem:s0+$0x1050]  }
0x257: {  	v16 =	vld [tilespmem:s0+$0x1060]  }
0x258: {  	v17 =	vld [tilespmem:s0+$0x1070]  }
0x259: {  	v18 =	vld [tilespmem:s0+$0x1400]  }
0x25a: {  	v9 =	vld [tilespmem:s0+$0x1410]  }
0x25b: {  	v8 =	vld [tilespmem:s0+$0x1420]  }
0x25c: {  	v7 =	vld [tilespmem:s0+$0x1430]  }
0x25d: {  	v6 =	vld [tilespmem:s0+$0x1440]  }
0x25e: {  	v5 =	vld [tilespmem:s0+$0x1450]  }
0x25f: {  	v4 =	vld [tilespmem:s0+$0x1460]  }
0x260: {  	v3 =	vld [tilespmem:s0+$0x1470]  }
0x261: {  	v19 =	vld [tilespmem:s0+$0x15000]  }
0x262: {  	v20 =	vld [tilespmem:s0+$0x15010]  }
0x263: {  	v21 =	vld [tilespmem:s0+$0x15020]  }
0x264: {  	v22 =	vld [tilespmem:s0+$0x15030]  }
0x265: {  	v23 =	vld [tilespmem:s0+$0x15040]  }
0x266: {  	v10 =	vadd.f32 v10, v19;
	v19 =	vld [tilespmem:s0+$0x15050]  }
0x267: {  	v61 =	vld [tilespmem:s0+$0x15060];
	v11 =	vadd.f32 v11, v20  }
0x268: {  	v62 =	vld [tilespmem:s0+$0x15070];
	[tilespmem:s0+$0x15000] =	vst v10;
	v10 =	vadd.f32 v12, v21  }
0x269: {  	v63 =	vld [tilespmem:s0+$0x15400];
	[tilespmem:s0+$0x15010] =	vst v11;
	v11 =	vadd.f32 v13, v22  }
0x26a: {  	v13 =	vld [tilespmem:s0+$0x15410];
	[tilespmem:s0+$0x15020] =	vst v10;
	v10 =	vadd.f32 v14, v23  }
0x26b: {  	v12 =	vld [tilespmem:s0+$0x15420];
	[tilespmem:s0+$0x15030] =	vst v11;
	v11 =	vadd.f32 v15, v19  }
0x26c: {  	v14 =	vadd.f32 v16, v61;
	[tilespmem:s0+$0x15040] =	vst v10;
	v10 =	vld [tilespmem:s0+$0x15430]  }
0x26d: {  	v16 =	vadd.f32 v17, v62;
	[tilespmem:s0+$0x15050] =	vst v11;
	v11 =	vld [tilespmem:s0+$0x15440]  }
0x26e: {  	s9 =	simm.s32 $0x100;
	s8 =	simm.s32 $0x80;
	v15 =	vadd.f32 v18, v63;
	[tilespmem:s0+$0x15060] =	vst v14;
	v14 =	vld [tilespmem:s0+$0x15450]  }
.LBB2_13:
0x26f: {  	s12 =	sand.u32 $0x7800, s9;
	s13 =	sand.u32 $0x380, s8;
	p0 =	sne.s32 s9, $0x4F00;
	[tilespmem:s0+$0x15070] =	vst v16;
	v9 =	vadd.f32 v9, v13;
	v13 =	vld [tilespmem:s0+$0x15460]  }
0x270: {  	s12 =	sor.u32 s13, s12;
	[tilespmem:s0+$0x15400] =	vst v15;
	v8 =	vadd.f32 v8, v12;
	v12 =	vld [tilespmem:s0+$0x15470]  }
0x271: {  	v15 =	vld [tilespmem:s12+$0x1000];
	[tilespmem:s0+$0x15410] =	vst v9;
	v7 =	vadd.f32 v7, v10  }
0x272: {  	v10 =	vld [tilespmem:s12+$0x1010];
	[tilespmem:s0+$0x15420] =	vst v8;
	v6 =	vadd.f32 v6, v11  }
0x273: {  	v11 =	vld [tilespmem:s12+$0x1020];
	[tilespmem:s0+$0x15430] =	vst v7;
	v5 =	vadd.f32 v5, v14  }
0x274: {  	v14 =	vld [tilespmem:s12+$0x1030];
	[tilespmem:s0+$0x15440] =	vst v6;
	v4 =	vadd.f32 v4, v13  }
0x275: {  	v13 =	vld [tilespmem:s12+$0x1040];
	[tilespmem:s0+$0x15450] =	vst v5;
	v3 =	vadd.f32 v3, v12  }
0x276: {  	v12 =	vld [tilespmem:s12+$0x1050];
	[tilespmem:s0+$0x15460] =	vst v4  }
0x277: {  	v16 =	vld [tilespmem:s12+$0x1060];
	[tilespmem:s0+$0x15470] =	vst v3;
	s0 =	smov.u32 s12  }
0x278: {  	v17 =	vld [tilespmem:s0+$0x1070]  }
0x279: {  	v18 =	vld [tilespmem:s0+$0x1400]  }
0x27a: {  	v9 =	vld [tilespmem:s0+$0x1410]  }
0x27b: {  	v8 =	vld [tilespmem:s0+$0x1420]  }
0x27c: {  	v7 =	vld [tilespmem:s0+$0x1430]  }
0x27d: {  	v6 =	vld [tilespmem:s0+$0x1440]  }
0x27e: {  	v5 =	vld [tilespmem:s0+$0x1450]  }
0x27f: {  	v4 =	vld [tilespmem:s0+$0x1460]  }
0x280: {  	v3 =	vld [tilespmem:s0+$0x1470]  }
0x281: {  	v19 =	vld [tilespmem:s0+$0x15000]  }
0x282: {  	v20 =	vld [tilespmem:s0+$0x15010]  }
0x283: {  	v21 =	vld [tilespmem:s0+$0x15020]  }
0x284: {  	v22 =	vld [tilespmem:s0+$0x15030]  }
0x285: {  	v23 =	vld [tilespmem:s0+$0x15040]  }
0x286: {  	v15 =	vadd.f32 v15, v19;
	v19 =	vld [tilespmem:s0+$0x15050]  }
0x287: {  	v10 =	vadd.f32 v10, v20;
	v20 =	vld [tilespmem:s0+$0x15060]  }
0x288: {  	[tilespmem:s0+$0x15000] =	vst v15;
	v11 =	vadd.f32 v11, v21;
	v15 =	vld [tilespmem:s0+$0x15070]  }
0x289: {  	[tilespmem:s0+$0x15010] =	vst v10;
	v10 =	vadd.f32 v14, v22;
	v14 =	vld [tilespmem:s0+$0x15400]  }
.Ltmp5:
0x28a: {  	[tilespmem:s0+$0x15020] =	vst v11;
	v11 =	vadd.f32 v13, v23;
	v13 =	vld [tilespmem:s0+$0x15410];
	(pc) =	sbr.rel @p0 .LBB2_13-.Ltmp5, $4  }
0x28b: {  	[tilespmem:s0+$0x15030] =	vst v10;
	v19 =	vadd.f32 v12, v19;
	v12 =	vld [tilespmem:s0+$0x15420]  }
0x28c: {  	[tilespmem:s0+$0x15040] =	vst v11;
	v20 =	vadd.f32 v16, v20;
	v10 =	vld [tilespmem:s0+$0x15430]  }
0x28d: {  	[tilespmem:s0+$0x15050] =	vst v19;
	v16 =	vadd.f32 v17, v15;
	v11 =	vld [tilespmem:s0+$0x15440]  }
0x28e: {  	s8 =	sadd.s32 $0x80, s8;
	s9 =	sadd.s32 $0x100, s9;
	[tilespmem:s0+$0x15060] =	vst v20;
	v15 =	vadd.f32 v18, v14;
	v14 =	vld [tilespmem:s0+$0x15450]  }
0x28f: {  	[tilespmem:s0+$0x15070] =	vst v16;
	v9 =	vadd.f32 v9, v13;
	v62 =	vld [tilespmem:s0+$0x15460]  }
0x290: {  	v63 =	vld [tilespmem:s0+$0x15470];
	[tilespmem:s0+$0x15400] =	vst v15;
	v8 =	vadd.f32 v8, v12  }
0x291: {  	[tilespmem:s0+$0x15410] =	vst v9;
	v7 =	vadd.f32 v7, v10  }
0x292: {  	s10 =	sadd.s32 $0x1, s10;
	[tilespmem:s0+$0x15420] =	vst v8;
	v6 =	vadd.f32 v6, v11  }
0x293: {  	p0 =	sne.s32 s10, $0x8;
	[tilespmem:s0+$0x15430] =	vst v7;
	v5 =	vadd.f32 v5, v14  }
.Ltmp6:
0x294: {  	s7 =	sadd.s32 s6, s7;
	[tilespmem:s0+$0x15440] =	vst v6;
	v4 =	vadd.f32 v4, v62;
	(pc) =	sbr.rel @p0 .LBB2_2-.Ltmp6, $4  }
0x295: {  	s7 =	smul.u32 $0xA00, s7;
	v3 =	vadd.f32 v3, v63;
	[tilespmem:s0+$0x15450] =	vst v5  }
0x296: {  	[tilespmem:s0+$0x15460] =	vst v4  }
0x297: {  	s17 =	sadd.s32 s4, s7;
	[tilespmem:s0+$0x15470] =	vst v3  }
0x298: {  	[hbm4b:s17+s5] =	stream.linear.scatter [tilespmem:s16], [sflag:$0x8], $0x5000, $0x38;
	[tilespmem:$0x1A000] =	vst v63  }
0x299: {  	_ =	swait.ge [sflag:s31], $0x5000  }
0x29a: {  	[sflag:s31] =	ssyncset.done $0x0  }
0x29b: {  	[sflag:s31] =	ssyncadd.s32 $0xFFFFB000  }
0x29c: {  	_ =	swait.ge [sflag:s3], $0x5000  }
0x29d: {  	[sflag:s3] =	ssyncset.done $0x0  }
0x29e: {  	s0 =	simm.s32 $0x7;
	[sflag:s3] =	ssyncadd.s32 $0xFFFFB000  }
0x29f: {  	_ =	swait.ge [sflag:s0], $0x5000  }
0x2a0: {  	[sflag:s0] =	ssyncset.done $0x0  }
0x2a1: {  	s7 =	simm.s32 $0x8;
	[sflag:s0] =	ssyncadd.s32 $0xFFFFB000  }
0x2a2: {  	_ =	swait.ge [sflag:s7], $0x5000  }
0x2a3: {  	s8 =	rddreg [dreg:$0x7]  }
0x2a4: {  	s17 =	rddreg [dreg:$0x6];
	s8 =	sadd.s32 $0x1, s8  }
0x2a5: {  	p0 =	sne.s32 s8, s17  }
.Ltmp7:
0x2a6: {  	_ = 	snop;
	(pc) =	sbr.rel @p0 .LBB2_1-.Ltmp7, $3  }
0x2a7: {  	_ =	sdelay $0x1  }
0x2a8: {  	[sflag:s7] =	ssyncset.done $0x0  }
0x2a9: {  	[sflag:s7] =	ssyncadd.s32 $0xFFFFB000  }
0x2aa: {  	_ =	sfence.sel $0x180000  }
0x2ab: {  	[bflag:$0x0] =	sbarrier.arrive $0xFFFF  }
0x2ac: {  	_ =	strace $0x90000047  }
0x2ad: {  	s0 =	stileid.u32;
	[bflag:$0x2] =	sbarrier.arrive $0xFFFF  }
0x2ae: {  	p0 =	sne.s32 s0, $0x0;
	s0 =	rddreg [dreg:$0x4]  }
0x2af: {  	s0 =	sadd.s32 @!p0 $0x100000, s0  }
0x2b0: {  	[sflag:s0] =	ssyncadd.tile.s32 @!p0 $0x1;
	_ =	shalt  }
.Lfunc_end2:
_tile_overlayer_lowered:
.L_overlay_start_2:
0x2b1: {  	(tag) =	ssettag $0x2  }
0x2b2: {  	s0 =	rddreg [dreg:$0x0];
	s2 =	stileid.u32  }
0x2b3: {  	s1 =	rddreg [dreg:$0x1];
	p0 =	sne.s32 s2, $0x0  }
0x2b4: {  	s3 =	rddreg [dreg:$0x2];
	[bflag:$0x3] =	sbarrier.arrive $0xFFFF;
	s2 =	simm.s32 @!p0 $0x1C0A  }
0x2b5: {  	[timem:s3], [sflag:s2] =	dma.local @!p0 [hbm:s0], s1  }
0x2b6: {  	s0 =	simm.s32 @!p0 $0xA  }
0x2b7: {  	_ =	swait.ge @!p0 [sflag:s0], s1  }
0x2b8: {  	s1 =	ssub.s32 @!p0 $0x0, s1;
	[sflag:s0] =	ssyncset.done @!p0 $0x0  }
0x2b9: {  	[sflag:s0] =	ssyncadd.s32 @!p0 s1  }
0x2ba: {  	[bflag:$0x3] =	sbarrier.arrive $0xFFFF  }
0x2bb: {  	_ =	shalt  }

</sc_bundles>
